<compile_context>
chip_gen: v7x
topology: tpu7x:2x2x1
jax: 0.10.2.dev20260603
libtpu: 0.0.44.dev20260713+nightly
codegen_flags: <defaults>
</compile_context>

<pallas_src>
import functools

import jax
import jax.numpy as jnp
from jax import lax
from jax.experimental import pallas as pl
from jax.experimental.pallas import tpu as pltpu
from jax.experimental.pallas import tpu_sc as plsc

NW = 32
CHUNK = 1024
BV = 32768


def _eye(n):
    r = lax.broadcasted_iota(jnp.int32, (n, n), 0)
    c = lax.broadcasted_iota(jnp.int32, (n, n), 1)
    return (r == c).astype(jnp.float32)


SUB = 2048


def _tc_normalize_body(emb_t_ref, out_ref):
    d_dim = emb_t_ref.shape[0]
    lanes = 128 // d_dim
    eye = _eye(d_dim)
    for j in range(BV // SUB):
        x = emb_t_ref[:, j * SUB:(j + 1) * SUB]
        s = jnp.sum(x * x, axis=0)
        z = x * lax.rsqrt(s)[None, :]
        t = lax.dot_general(
            z, eye, (((0,), (0,)), ((), ())),
            preferred_element_type=jnp.float32)
        q, k = j // lanes, j % lanes
        out_ref[q * SUB:(q + 1) * SUB, k * d_dim:(k + 1) * d_dim] = t


def _normalized_table(emb_t, vocab, d_dim):
    grid = (vocab + BV - 1) // BV
    rows = BV * d_dim // 128
    return pl.pallas_call(
        _tc_normalize_body,
        grid=(grid,),
        in_specs=[pl.BlockSpec((d_dim, BV), lambda i: (0, i))],
        out_specs=pl.BlockSpec((rows, 128), lambda i: (i, 0)),
        out_shape=jax.ShapeDtypeStruct((grid * rows, 128), jnp.float32),
    )(emb_t)


def kernel(indices, embeddings):
    b_dim, f_dim = indices.shape
    vocab, d_dim = embeddings.shape
    flat_b = indices.size
    assert flat_b % (NW * CHUNK) == 0
    b_per_w = flat_b // NW
    n_chunks = b_per_w // CHUNK

    flat_table = _normalized_table(embeddings.T, vocab, d_dim)
    table_n = flat_table.reshape(flat_table.shape[0] * (128 // d_dim), d_dim)

    lanes = 128 // d_dim
    v = indices.T.astype(jnp.int32)
    i_, rem = v // BV, v % BV
    j, u = rem // SUB, rem % SUB
    vrow = (i_ * (BV // lanes) + (j // lanes) * SUB + u) * lanes + (j % lanes)
    idx2 = vrow.reshape(NW, b_per_w)

    mesh = plsc.VectorSubcoreMesh(core_axis_name="c", subcore_axis_name="s")

    @functools.partial(
        pl.kernel,
        mesh=mesh,
        compiler_params=pltpu.CompilerParams(
            needs_layout_passes=False, use_tc_tiling_on_sc=False),
        out_type=jax.ShapeDtypeStruct((flat_b, d_dim), jnp.float32),
        scratch_types=[
            pltpu.VMEM((b_per_w,), jnp.int32),
            pltpu.VMEM((CHUNK, d_dim), jnp.float32),
            pltpu.VMEM((CHUNK, d_dim), jnp.float32),
            pltpu.SemaphoreType.DMA,
            pltpu.SemaphoreType.DMA,
        ],
    )
    def run(table_hbm, idx_hbm, out_hbm, idx_v, buf0, buf1, sem0, sem1):
        wid = lax.axis_index("s") * 2 + lax.axis_index("c")
        pltpu.sync_copy(idx_hbm.at[wid], idx_v)
        bufs, sems = (buf0, buf1), (sem0, sem1)

        pend = [None, None]
        pend[0] = pltpu.async_copy(
            table_hbm.at[idx_v.at[pl.ds(0, CHUNK)]], bufs[0], sems[0])
        for c in range(n_chunks):
            cur = c % 2
            if c + 1 < n_chunks:
                nxt = (c + 1) % 2
                pend[nxt] = pltpu.async_copy(
                    table_hbm.at[idx_v.at[pl.ds((c + 1) * CHUNK, CHUNK)]],
                    bufs[nxt], sems[nxt])
            pend[cur].wait()
            base = wid * b_per_w + c * CHUNK
            pltpu.sync_copy(bufs[cur], out_hbm.at[pl.ds(base, CHUNK)])

    out = run(table_n, idx2)
    return out.reshape(f_dim, b_dim, d_dim).transpose(1, 0, 2)

# --- scband reference (transcript-rebuilt; emitter-appended) ---
"""Pipeline reference for scband-embedding-agent-87780541595671 (READ-ONLY COPY).

The authoritative reference and input builder live on the scoring server;
editing this copy changes nothing except your own understanding.
"""

import jax, jax.numpy as jnp
import numpy as np

VOCAB = 1000000
EMBED_DIM = 32
BATCH = 16384
FIELDS = 26

def setup_inputs(seed: int = 0) -> dict:
    key = jax.random.key(seed)
    k1, k2 = jax.random.split(key)
    embeddings = jax.random.normal(k1, (VOCAB, EMBED_DIM), dtype=jnp.float32)
    indices = jax.random.randint(k2, (BATCH, FIELDS), 0, VOCAB, dtype=jnp.int64 if jax.config.jax_enable_x64 else jnp.int32)
    return {"indices": indices, "embeddings": embeddings}

def reference(indices, embeddings):
    # EmbeddingAgent.__init__ with dist_metric='cosine_sim' normalizes the table rows,
    # then embedder() gathers rows by word index.
    norms = jnp.linalg.norm(embeddings, axis=-1, keepdims=True)
    normed = embeddings / norms
    out = jnp.take(normed, indices, axis=0)
    return out

if __name__ == "__main__":
    import jax
    _d = setup_inputs()
    print(jax.jit(kernel)(*tuple(_d.values())))

</pallas_src>

<mosaic_0001>
#map = affine_map<(d0, d1) -> (0, 0)>
module attributes {stable_mosaic.version = 14 : i64} {
  func.func @run(%arg0: i32, %arg1: i32, %arg2: memref<1015808x32xf32, #tpu.memory_space<hbm>>, %arg3: memref<32x13312xi32, #tpu.memory_space<hbm>>, %arg4: memref<425984x32xf32, #tpu.memory_space<hbm>>, %arg5: memref<13312xi32, #tpu.memory_space<vmem>>, %arg6: memref<1024x32xf32, #tpu.memory_space<vmem>>, %arg7: memref<1024x32xf32, #tpu.memory_space<vmem>>, %arg8: memref<!tpu.dma_semaphore, #tpu.memory_space<semaphore_mem>>, %arg9: memref<!tpu.dma_semaphore, #tpu.memory_space<semaphore_mem>>) attributes {dimension_semantics = [#tpu.dimension_semantics<core_parallel>, #tpu.dimension_semantics<subcore_parallel>], iteration_bounds = array<i64: 2, 16>, scalar_prefetch = 0 : i64, scratch_operands = 5 : i64, tpu.core_type = #tpu.core_type<sc_vector_subcore>, window_params = [{transform_indices = #map}, {transform_indices = #map}, {transform_indices = #map}]} {
    %mul3A = arith.constant 2 : i32
    %mul3A_0 = arith.muli %arg1, %mul3A : i32
    %add3A = arith.addi %mul3A_0, %arg0 : i32
    "tpu.region"() ({
      %run_scoped3A = tpu.sem_alloc : memref<!tpu.dma_semaphore, #tpu.memory_space<semaphore_mem>>
      %dma_start3A_181 = arith.constant 0 : i32
      %dma_start3A_182 = tpu.memref_slice %arg3[%add3A, %dma_start3A_181] : memref<32x13312xi32, #tpu.memory_space<hbm>> -> memref<1x13312xi32, #tpu.memory_space<hbm>>
      %dma_start3A_183 = tpu.memref_squeeze %dma_start3A_182 : memref<1x13312xi32, #tpu.memory_space<hbm>> -> memref<13312xi32, #tpu.memory_space<hbm>>
      %dma_start3A_184 = arith.constant 0 : i32
      %dma_start3A_185 = tpu.memref_slice %arg3[%add3A, %dma_start3A_184] : memref<32x13312xi32, #tpu.memory_space<hbm>> -> memref<1x13312xi32, #tpu.memory_space<hbm>>
      %dma_start3A_186 = tpu.memref_squeeze %dma_start3A_185 : memref<1x13312xi32, #tpu.memory_space<hbm>> -> memref<13312xi32, #tpu.memory_space<hbm>>
      tpu.enqueue_dma source(%dma_start3A_186 : memref<13312xi32, #tpu.memory_space<hbm>>) target(%arg5 : memref<13312xi32, #tpu.memory_space<vmem>>) target_semaphore(%run_scoped3A : memref<!tpu.dma_semaphore, #tpu.memory_space<semaphore_mem>>)
      %dma_wait3A_187 = arith.constant 0 : i32
      %dma_wait3A_188 = tpu.memref_slice %arg3[%add3A, %dma_wait3A_187] : memref<32x13312xi32, #tpu.memory_space<hbm>> -> memref<1x13312xi32, #tpu.memory_space<hbm>>
      %dma_wait3A_189 = tpu.memref_squeeze %dma_wait3A_188 : memref<1x13312xi32, #tpu.memory_space<hbm>> -> memref<13312xi32, #tpu.memory_space<hbm>>
      %dma_wait3A_190 = arith.constant 0 : i32
      %dma_wait3A_191 = tpu.memref_slice %arg3[%add3A, %dma_wait3A_190] : memref<32x13312xi32, #tpu.memory_space<hbm>> -> memref<1x13312xi32, #tpu.memory_space<hbm>>
      %dma_wait3A_192 = tpu.memref_squeeze %dma_wait3A_191 : memref<1x13312xi32, #tpu.memory_space<hbm>> -> memref<13312xi32, #tpu.memory_space<hbm>>
      tpu.wait_dma2 semaphore(%run_scoped3A : memref<!tpu.dma_semaphore, #tpu.memory_space<semaphore_mem>>) src(%dma_wait3A_192 : memref<13312xi32, #tpu.memory_space<hbm>>) dst(%arg5 : memref<13312xi32, #tpu.memory_space<vmem>>)
      tpu.yield
    }) : () -> ()
    %dma_start3A = arith.constant 0 : i32
    %dma_start3A_1 = tpu.memref_slice %arg5[%dma_start3A] : memref<13312xi32, #tpu.memory_space<vmem>> -> memref<1024xi32, #tpu.memory_space<vmem>>
    %dma_start3A_2 = arith.constant 0 : i32
    %dma_start3A_3 = arith.constant 0 : i32
    %dma_start3A_4 = tpu.memref_slice %arg2[%dma_start3A_2, %dma_start3A_3] : memref<1015808x32xf32, #tpu.memory_space<hbm>> -> memref<1015808x32xf32, #tpu.memory_space<hbm>>
    tpu.enqueue_indirect_dma source(%dma_start3A_4 : memref<1015808x32xf32, #tpu.memory_space<hbm>>) target(%arg6 : memref<1024x32xf32, #tpu.memory_space<vmem>>) offsets(%dma_start3A_1 : memref<1024xi32, #tpu.memory_space<vmem>>) semaphore(%arg8 : memref<!tpu.dma_semaphore, #tpu.memory_space<semaphore_mem>>)
    %dma_start3A_5 = arith.constant 1024 : i32
    %dma_start3A_6 = tpu.memref_slice %arg5[%dma_start3A_5] : memref<13312xi32, #tpu.memory_space<vmem>> -> memref<1024xi32, #tpu.memory_space<vmem>>
    %dma_start3A_7 = arith.constant 0 : i32
    %dma_start3A_8 = arith.constant 0 : i32
    %dma_start3A_9 = tpu.memref_slice %arg2[%dma_start3A_7, %dma_start3A_8] : memref<1015808x32xf32, #tpu.memory_space<hbm>> -> memref<1015808x32xf32, #tpu.memory_space<hbm>>
    tpu.enqueue_indirect_dma source(%dma_start3A_9 : memref<1015808x32xf32, #tpu.memory_space<hbm>>) target(%arg7 : memref<1024x32xf32, #tpu.memory_space<vmem>>) offsets(%dma_start3A_6 : memref<1024xi32, #tpu.memory_space<vmem>>) semaphore(%arg9 : memref<!tpu.dma_semaphore, #tpu.memory_space<semaphore_mem>>)
    %dma_wait3A = arith.constant 0 : i32
    %dma_wait3A_10 = tpu.memref_slice %arg5[%dma_wait3A] : memref<13312xi32, #tpu.memory_space<vmem>> -> memref<1024xi32, #tpu.memory_space<vmem>>
    %dma_wait3A_11 = arith.constant 0 : i32
    %dma_wait3A_12 = arith.constant 0 : i32
    %dma_wait3A_13 = tpu.memref_slice %arg2[%dma_wait3A_11, %dma_wait3A_12] : memref<1015808x32xf32, #tpu.memory_space<hbm>> -> memref<1015808x32xf32, #tpu.memory_space<hbm>>
    tpu.wait_indirect_dma semaphore(%arg8 : memref<!tpu.dma_semaphore, #tpu.memory_space<semaphore_mem>>) src(%dma_wait3A_13 : memref<1015808x32xf32, #tpu.memory_space<hbm>>) dst(%arg6 : memref<1024x32xf32, #tpu.memory_space<vmem>>)
    %mul3A_14 = arith.constant 13312 : i32
    %mul3A_15 = arith.muli %add3A, %mul3A_14 : i32
    %add3A_16 = arith.constant 0 : i32
    %add3A_17 = arith.addi %mul3A_15, %add3A_16 : i32
    "tpu.region"() ({
      %run_scoped3A = tpu.sem_alloc : memref<!tpu.dma_semaphore, #tpu.memory_space<semaphore_mem>>
      %dma_start3A_181 = arith.constant 0 : i32
      %dma_start3A_182 = tpu.memref_slice %arg4[%add3A_17, %dma_start3A_181] : memref<425984x32xf32, #tpu.memory_space<hbm>> -> memref<1024x32xf32, #tpu.memory_space<hbm>>
      %dma_start3A_183 = arith.constant 0 : i32
      %dma_start3A_184 = tpu.memref_slice %arg4[%add3A_17, %dma_start3A_183] : memref<425984x32xf32, #tpu.memory_space<hbm>> -> memref<1024x32xf32, #tpu.memory_space<hbm>>
      tpu.enqueue_dma source(%arg6 : memref<1024x32xf32, #tpu.memory_space<vmem>>) target(%dma_start3A_184 : memref<1024x32xf32, #tpu.memory_space<hbm>>) target_semaphore(%run_scoped3A : memref<!tpu.dma_semaphore, #tpu.memory_space<semaphore_mem>>)
      %dma_wait3A_185 = arith.constant 0 : i32
      %dma_wait3A_186 = tpu.memref_slice %arg4[%add3A_17, %dma_wait3A_185] : memref<425984x32xf32, #tpu.memory_space<hbm>> -> memref<1024x32xf32, #tpu.memory_space<hbm>>
      %dma_wait3A_187 = arith.constant 0 : i32
      %dma_wait3A_188 = tpu.memref_slice %arg4[%add3A_17, %dma_wait3A_187] : memref<425984x32xf32, #tpu.memory_space<hbm>> -> memref<1024x32xf32, #tpu.memory_space<hbm>>
      tpu.wait_dma2 semaphore(%run_scoped3A : memref<!tpu.dma_semaphore, #tpu.memory_space<semaphore_mem>>) src(%arg6 : memref<1024x32xf32, #tpu.memory_space<vmem>>) dst(%dma_wait3A_188 : memref<1024x32xf32, #tpu.memory_space<hbm>>)
      tpu.yield
    }) : () -> ()
    %dma_start3A_18 = arith.constant 2048 : i32
    %dma_start3A_19 = tpu.memref_slice %arg5[%dma_start3A_18] : memref<13312xi32, #tpu.memory_space<vmem>> -> memref<1024xi32, #tpu.memory_space<vmem>>
    %dma_start3A_20 = arith.constant 0 : i32
    %dma_start3A_21 = arith.constant 0 : i32
    %dma_start3A_22 = tpu.memref_slice %arg2[%dma_start3A_20, %dma_start3A_21] : memref<1015808x32xf32, #tpu.memory_space<hbm>> -> memref<1015808x32xf32, #tpu.memory_space<hbm>>
    tpu.enqueue_indirect_dma source(%dma_start3A_22 : memref<1015808x32xf32, #tpu.memory_space<hbm>>) target(%arg6 : memref<1024x32xf32, #tpu.memory_space<vmem>>) offsets(%dma_start3A_19 : memref<1024xi32, #tpu.memory_space<vmem>>) semaphore(%arg8 : memref<!tpu.dma_semaphore, #tpu.memory_space<semaphore_mem>>)
    %dma_wait3A_23 = arith.constant 1024 : i32
    %dma_wait3A_24 = tpu.memref_slice %arg5[%dma_wait3A_23] : memref<13312xi32, #tpu.memory_space<vmem>> -> memref<1024xi32, #tpu.memory_space<vmem>>
    %dma_wait3A_25 = arith.constant 0 : i32
    %dma_wait3A_26 = arith.constant 0 : i32
    %dma_wait3A_27 = tpu.memref_slice %arg2[%dma_wait3A_25, %dma_wait3A_26] : memref<1015808x32xf32, #tpu.memory_space<hbm>> -> memref<1015808x32xf32, #tpu.memory_space<hbm>>
    tpu.wait_indirect_dma semaphore(%arg9 : memref<!tpu.dma_semaphore, #tpu.memory_space<semaphore_mem>>) src(%dma_wait3A_27 : memref<1015808x32xf32, #tpu.memory_space<hbm>>) dst(%arg7 : memref<1024x32xf32, #tpu.memory_space<vmem>>)
    %mul3A_28 = arith.constant 13312 : i32
    %mul3A_29 = arith.muli %add3A, %mul3A_28 : i32
    %add3A_30 = arith.constant 1024 : i32
    %add3A_31 = arith.addi %mul3A_29, %add3A_30 : i32
    "tpu.region"() ({
      %run_scoped3A = tpu.sem_alloc : memref<!tpu.dma_semaphore, #tpu.memory_space<semaphore_mem>>
      %dma_start3A_181 = arith.constant 0 : i32
      %dma_start3A_182 = tpu.memref_slice %arg4[%add3A_31, %dma_start3A_181] : memref<425984x32xf32, #tpu.memory_space<hbm>> -> memref<1024x32xf32, #tpu.memory_space<hbm>>
      %dma_start3A_183 = arith.constant 0 : i32
      %dma_start3A_184 = tpu.memref_slice %arg4[%add3A_31, %dma_start3A_183] : memref<425984x32xf32, #tpu.memory_space<hbm>> -> memref<1024x32xf32, #tpu.memory_space<hbm>>
      tpu.enqueue_dma source(%arg7 : memref<1024x32xf32, #tpu.memory_space<vmem>>) target(%dma_start3A_184 : memref<1024x32xf32, #tpu.memory_space<hbm>>) target_semaphore(%run_scoped3A : memref<!tpu.dma_semaphore, #tpu.memory_space<semaphore_mem>>)
      %dma_wait3A_185 = arith.constant 0 : i32
      %dma_wait3A_186 = tpu.memref_slice %arg4[%add3A_31, %dma_wait3A_185] : memref<425984x32xf32, #tpu.memory_space<hbm>> -> memref<1024x32xf32, #tpu.memory_space<hbm>>
      %dma_wait3A_187 = arith.constant 0 : i32
      %dma_wait3A_188 = tpu.memref_slice %arg4[%add3A_31, %dma_wait3A_187] : memref<425984x32xf32, #tpu.memory_space<hbm>> -> memref<1024x32xf32, #tpu.memory_space<hbm>>
      tpu.wait_dma2 semaphore(%run_scoped3A : memref<!tpu.dma_semaphore, #tpu.memory_space<semaphore_mem>>) src(%arg7 : memref<1024x32xf32, #tpu.memory_space<vmem>>) dst(%dma_wait3A_188 : memref<1024x32xf32, #tpu.memory_space<hbm>>)
      tpu.yield
    }) : () -> ()
    %dma_start3A_32 = arith.constant 3072 : i32
    %dma_start3A_33 = tpu.memref_slice %arg5[%dma_start3A_32] : memref<13312xi32, #tpu.memory_space<vmem>> -> memref<1024xi32, #tpu.memory_space<vmem>>
    %dma_start3A_34 = arith.constant 0 : i32
    %dma_start3A_35 = arith.constant 0 : i32
    %dma_start3A_36 = tpu.memref_slice %arg2[%dma_start3A_34, %dma_start3A_35] : memref<1015808x32xf32, #tpu.memory_space<hbm>> -> memref<1015808x32xf32, #tpu.memory_space<hbm>>
    tpu.enqueue_indirect_dma source(%dma_start3A_36 : memref<1015808x32xf32, #tpu.memory_space<hbm>>) target(%arg7 : memref<1024x32xf32, #tpu.memory_space<vmem>>) offsets(%dma_start3A_33 : memref<1024xi32, #tpu.memory_space<vmem>>) semaphore(%arg9 : memref<!tpu.dma_semaphore, #tpu.memory_space<semaphore_mem>>)
    %dma_wait3A_37 = arith.constant 2048 : i32
    %dma_wait3A_38 = tpu.memref_slice %arg5[%dma_wait3A_37] : memref<13312xi32, #tpu.memory_space<vmem>> -> memref<1024xi32, #tpu.memory_space<vmem>>
    %dma_wait3A_39 = arith.constant 0 : i32
    %dma_wait3A_40 = arith.constant 0 : i32
    %dma_wait3A_41 = tpu.memref_slice %arg2[%dma_wait3A_39, %dma_wait3A_40] : memref<1015808x32xf32, #tpu.memory_space<hbm>> -> memref<1015808x32xf32, #tpu.memory_space<hbm>>
    tpu.wait_indirect_dma semaphore(%arg8 : memref<!tpu.dma_semaphore, #tpu.memory_space<semaphore_mem>>) src(%dma_wait3A_41 : memref<1015808x32xf32, #tpu.memory_space<hbm>>) dst(%arg6 : memref<1024x32xf32, #tpu.memory_space<vmem>>)
    %mul3A_42 = arith.constant 13312 : i32
    %mul3A_43 = arith.muli %add3A, %mul3A_42 : i32
    %add3A_44 = arith.constant 2048 : i32
    %add3A_45 = arith.addi %mul3A_43, %add3A_44 : i32
    "tpu.region"() ({
      %run_scoped3A = tpu.sem_alloc : memref<!tpu.dma_semaphore, #tpu.memory_space<semaphore_mem>>
      %dma_start3A_181 = arith.constant 0 : i32
      %dma_start3A_182 = tpu.memref_slice %arg4[%add3A_45, %dma_start3A_181] : memref<425984x32xf32, #tpu.memory_space<hbm>> -> memref<1024x32xf32, #tpu.memory_space<hbm>>
      %dma_start3A_183 = arith.constant 0 : i32
      %dma_start3A_184 = tpu.memref_slice %arg4[%add3A_45, %dma_start3A_183] : memref<425984x32xf32, #tpu.memory_space<hbm>> -> memref<1024x32xf32, #tpu.memory_space<hbm>>
      tpu.enqueue_dma source(%arg6 : memref<1024x32xf32, #tpu.memory_space<vmem>>) target(%dma_start3A_184 : memref<1024x32xf32, #tpu.memory_space<hbm>>) target_semaphore(%run_scoped3A : memref<!tpu.dma_semaphore, #tpu.memory_space<semaphore_mem>>)
      %dma_wait3A_185 = arith.constant 0 : i32
      %dma_wait3A_186 = tpu.memref_slice %arg4[%add3A_45, %dma_wait3A_185] : memref<425984x32xf32, #tpu.memory_space<hbm>> -> memref<1024x32xf32, #tpu.memory_space<hbm>>
      %dma_wait3A_187 = arith.constant 0 : i32
      %dma_wait3A_188 = tpu.memref_slice %arg4[%add3A_45, %dma_wait3A_187] : memref<425984x32xf32, #tpu.memory_space<hbm>> -> memref<1024x32xf32, #tpu.memory_space<hbm>>
      tpu.wait_dma2 semaphore(%run_scoped3A : memref<!tpu.dma_semaphore, #tpu.memory_space<semaphore_mem>>) src(%arg6 : memref<1024x32xf32, #tpu.memory_space<vmem>>) dst(%dma_wait3A_188 : memref<1024x32xf32, #tpu.memory_space<hbm>>)
      tpu.yield
    }) : () -> ()
    %dma_start3A_46 = arith.constant 4096 : i32
    %dma_start3A_47 = tpu.memref_slice %arg5[%dma_start3A_46] : memref<13312xi32, #tpu.memory_space<vmem>> -> memref<1024xi32, #tpu.memory_space<vmem>>
    %dma_start3A_48 = arith.constant 0 : i32
    %dma_start3A_49 = arith.constant 0 : i32
    %dma_start3A_50 = tpu.memref_slice %arg2[%dma_start3A_48, %dma_start3A_49] : memref<1015808x32xf32, #tpu.memory_space<hbm>> -> memref<1015808x32xf32, #tpu.memory_space<hbm>>
    tpu.enqueue_indirect_dma source(%dma_start3A_50 : memref<1015808x32xf32, #tpu.memory_space<hbm>>) target(%arg6 : memref<1024x32xf32, #tpu.memory_space<vmem>>) offsets(%dma_start3A_47 : memref<1024xi32, #tpu.memory_space<vmem>>) semaphore(%arg8 : memref<!tpu.dma_semaphore, #tpu.memory_space<semaphore_mem>>)
    %dma_wait3A_51 = arith.constant 3072 : i32
    %dma_wait3A_52 = tpu.memref_slice %arg5[%dma_wait3A_51] : memref<13312xi32, #tpu.memory_space<vmem>> -> memref<1024xi32, #tpu.memory_space<vmem>>
    %dma_wait3A_53 = arith.constant 0 : i32
    %dma_wait3A_54 = arith.constant 0 : i32
    %dma_wait3A_55 = tpu.memref_slice %arg2[%dma_wait3A_53, %dma_wait3A_54] : memref<1015808x32xf32, #tpu.memory_space<hbm>> -> memref<1015808x32xf32, #tpu.memory_space<hbm>>
    tpu.wait_indirect_dma semaphore(%arg9 : memref<!tpu.dma_semaphore, #tpu.memory_space<semaphore_mem>>) src(%dma_wait3A_55 : memref<1015808x32xf32, #tpu.memory_space<hbm>>) dst(%arg7 : memref<1024x32xf32, #tpu.memory_space<vmem>>)
    %mul3A_56 = arith.constant 13312 : i32
    %mul3A_57 = arith.muli %add3A, %mul3A_56 : i32
    %add3A_58 = arith.constant 3072 : i32
    %add3A_59 = arith.addi %mul3A_57, %add3A_58 : i32
    "tpu.region"() ({
      %run_scoped3A = tpu.sem_alloc : memref<!tpu.dma_semaphore, #tpu.memory_space<semaphore_mem>>
      %dma_start3A_181 = arith.constant 0 : i32
      %dma_start3A_182 = tpu.memref_slice %arg4[%add3A_59, %dma_start3A_181] : memref<425984x32xf32, #tpu.memory_space<hbm>> -> memref<1024x32xf32, #tpu.memory_space<hbm>>
      %dma_start3A_183 = arith.constant 0 : i32
      %dma_start3A_184 = tpu.memref_slice %arg4[%add3A_59, %dma_start3A_183] : memref<425984x32xf32, #tpu.memory_space<hbm>> -> memref<1024x32xf32, #tpu.memory_space<hbm>>
      tpu.enqueue_dma source(%arg7 : memref<1024x32xf32, #tpu.memory_space<vmem>>) target(%dma_start3A_184 : memref<1024x32xf32, #tpu.memory_space<hbm>>) target_semaphore(%run_scoped3A : memref<!tpu.dma_semaphore, #tpu.memory_space<semaphore_mem>>)
      %dma_wait3A_185 = arith.constant 0 : i32
      %dma_wait3A_186 = tpu.memref_slice %arg4[%add3A_59, %dma_wait3A_185] : memref<425984x32xf32, #tpu.memory_space<hbm>> -> memref<1024x32xf32, #tpu.memory_space<hbm>>
      %dma_wait3A_187 = arith.constant 0 : i32
      %dma_wait3A_188 = tpu.memref_slice %arg4[%add3A_59, %dma_wait3A_187] : memref<425984x32xf32, #tpu.memory_space<hbm>> -> memref<1024x32xf32, #tpu.memory_space<hbm>>
      tpu.wait_dma2 semaphore(%run_scoped3A : memref<!tpu.dma_semaphore, #tpu.memory_space<semaphore_mem>>) src(%arg7 : memref<1024x32xf32, #tpu.memory_space<vmem>>) dst(%dma_wait3A_188 : memref<1024x32xf32, #tpu.memory_space<hbm>>)
      tpu.yield
    }) : () -> ()
    %dma_start3A_60 = arith.constant 5120 : i32
    %dma_start3A_61 = tpu.memref_slice %arg5[%dma_start3A_60] : memref<13312xi32, #tpu.memory_space<vmem>> -> memref<1024xi32, #tpu.memory_space<vmem>>
    %dma_start3A_62 = arith.constant 0 : i32
    %dma_start3A_63 = arith.constant 0 : i32
    %dma_start3A_64 = tpu.memref_slice %arg2[%dma_start3A_62, %dma_start3A_63] : memref<1015808x32xf32, #tpu.memory_space<hbm>> -> memref<1015808x32xf32, #tpu.memory_space<hbm>>
    tpu.enqueue_indirect_dma source(%dma_start3A_64 : memref<1015808x32xf32, #tpu.memory_space<hbm>>) target(%arg7 : memref<1024x32xf32, #tpu.memory_space<vmem>>) offsets(%dma_start3A_61 : memref<1024xi32, #tpu.memory_space<vmem>>) semaphore(%arg9 : memref<!tpu.dma_semaphore, #tpu.memory_space<semaphore_mem>>)
    %dma_wait3A_65 = arith.constant 4096 : i32
    %dma_wait3A_66 = tpu.memref_slice %arg5[%dma_wait3A_65] : memref<13312xi32, #tpu.memory_space<vmem>> -> memref<1024xi32, #tpu.memory_space<vmem>>
    %dma_wait3A_67 = arith.constant 0 : i32
    %dma_wait3A_68 = arith.constant 0 : i32
    %dma_wait3A_69 = tpu.memref_slice %arg2[%dma_wait3A_67, %dma_wait3A_68] : memref<1015808x32xf32, #tpu.memory_space<hbm>> -> memref<1015808x32xf32, #tpu.memory_space<hbm>>
    tpu.wait_indirect_dma semaphore(%arg8 : memref<!tpu.dma_semaphore, #tpu.memory_space<semaphore_mem>>) src(%dma_wait3A_69 : memref<1015808x32xf32, #tpu.memory_space<hbm>>) dst(%arg6 : memref<1024x32xf32, #tpu.memory_space<vmem>>)
    %mul3A_70 = arith.constant 13312 : i32
    %mul3A_71 = arith.muli %add3A, %mul3A_70 : i32
    %add3A_72 = arith.constant 4096 : i32
    %add3A_73 = arith.addi %mul3A_71, %add3A_72 : i32
    "tpu.region"() ({
      %run_scoped3A = tpu.sem_alloc : memref<!tpu.dma_semaphore, #tpu.memory_space<semaphore_mem>>
      %dma_start3A_181 = arith.constant 0 : i32
      %dma_start3A_182 = tpu.memref_slice %arg4[%add3A_73, %dma_start3A_181] : memref<425984x32xf32, #tpu.memory_space<hbm>> -> memref<1024x32xf32, #tpu.memory_space<hbm>>
      %dma_start3A_183 = arith.constant 0 : i32
      %dma_start3A_184 = tpu.memref_slice %arg4[%add3A_73, %dma_start3A_183] : memref<425984x32xf32, #tpu.memory_space<hbm>> -> memref<1024x32xf32, #tpu.memory_space<hbm>>
      tpu.enqueue_dma source(%arg6 : memref<1024x32xf32, #tpu.memory_space<vmem>>) target(%dma_start3A_184 : memref<1024x32xf32, #tpu.memory_space<hbm>>) target_semaphore(%run_scoped3A : memref<!tpu.dma_semaphore, #tpu.memory_space<semaphore_mem>>)
      %dma_wait3A_185 = arith.constant 0 : i32
      %dma_wait3A_186 = tpu.memref_slice %arg4[%add3A_73, %dma_wait3A_185] : memref<425984x32xf32, #tpu.memory_space<hbm>> -> memref<1024x32xf32, #tpu.memory_space<hbm>>
      %dma_wait3A_187 = arith.constant 0 : i32
      %dma_wait3A_188 = tpu.memref_slice %arg4[%add3A_73, %dma_wait3A_187] : memref<425984x32xf32, #tpu.memory_space<hbm>> -> memref<1024x32xf32, #tpu.memory_space<hbm>>
      tpu.wait_dma2 semaphore(%run_scoped3A : memref<!tpu.dma_semaphore, #tpu.memory_space<semaphore_mem>>) src(%arg6 : memref<1024x32xf32, #tpu.memory_space<vmem>>) dst(%dma_wait3A_188 : memref<1024x32xf32, #tpu.memory_space<hbm>>)
      tpu.yield
    }) : () -> ()
    %dma_start3A_74 = arith.constant 6144 : i32
    %dma_start3A_75 = tpu.memref_slice %arg5[%dma_start3A_74] : memref<13312xi32, #tpu.memory_space<vmem>> -> memref<1024xi32, #tpu.memory_space<vmem>>
    %dma_start3A_76 = arith.constant 0 : i32
    %dma_start3A_77 = arith.constant 0 : i32
    %dma_start3A_78 = tpu.memref_slice %arg2[%dma_start3A_76, %dma_start3A_77] : memref<1015808x32xf32, #tpu.memory_space<hbm>> -> memref<1015808x32xf32, #tpu.memory_space<hbm>>
    tpu.enqueue_indirect_dma source(%dma_start3A_78 : memref<1015808x32xf32, #tpu.memory_space<hbm>>) target(%arg6 : memref<1024x32xf32, #tpu.memory_space<vmem>>) offsets(%dma_start3A_75 : memref<1024xi32, #tpu.memory_space<vmem>>) semaphore(%arg8 : memref<!tpu.dma_semaphore, #tpu.memory_space<semaphore_mem>>)
    %dma_wait3A_79 = arith.constant 5120 : i32
    %dma_wait3A_80 = tpu.memref_slice %arg5[%dma_wait3A_79] : memref<13312xi32, #tpu.memory_space<vmem>> -> memref<1024xi32, #tpu.memory_space<vmem>>
    %dma_wait3A_81 = arith.constant 0 : i32
    %dma_wait3A_82 = arith.constant 0 : i32
    %dma_wait3A_83 = tpu.memref_slice %arg2[%dma_wait3A_81, %dma_wait3A_82] : memref<1015808x32xf32, #tpu.memory_space<hbm>> -> memref<1015808x32xf32, #tpu.memory_space<hbm>>
    tpu.wait_indirect_dma semaphore(%arg9 : memref<!tpu.dma_semaphore, #tpu.memory_space<semaphore_mem>>) src(%dma_wait3A_83 : memref<1015808x32xf32, #tpu.memory_space<hbm>>) dst(%arg7 : memref<1024x32xf32, #tpu.memory_space<vmem>>)
    %mul3A_84 = arith.constant 13312 : i32
    %mul3A_85 = arith.muli %add3A, %mul3A_84 : i32
    %add3A_86 = arith.constant 5120 : i32
    %add3A_87 = arith.addi %mul3A_85, %add3A_86 : i32
    "tpu.region"() ({
      %run_scoped3A = tpu.sem_alloc : memref<!tpu.dma_semaphore, #tpu.memory_space<semaphore_mem>>
      %dma_start3A_181 = arith.constant 0 : i32
      %dma_start3A_182 = tpu.memref_slice %arg4[%add3A_87, %dma_start3A_181] : memref<425984x32xf32, #tpu.memory_space<hbm>> -> memref<1024x32xf32, #tpu.memory_space<hbm>>
      %dma_start3A_183 = arith.constant 0 : i32
      %dma_start3A_184 = tpu.memref_slice %arg4[%add3A_87, %dma_start3A_183] : memref<425984x32xf32, #tpu.memory_space<hbm>> -> memref<1024x32xf32, #tpu.memory_space<hbm>>
      tpu.enqueue_dma source(%arg7 : memref<1024x32xf32, #tpu.memory_space<vmem>>) target(%dma_start3A_184 : memref<1024x32xf32, #tpu.memory_space<hbm>>) target_semaphore(%run_scoped3A : memref<!tpu.dma_semaphore, #tpu.memory_space<semaphore_mem>>)
      %dma_wait3A_185 = arith.constant 0 : i32
      %dma_wait3A_186 = tpu.memref_slice %arg4[%add3A_87, %dma_wait3A_185] : memref<425984x32xf32, #tpu.memory_space<hbm>> -> memref<1024x32xf32, #tpu.memory_space<hbm>>
      %dma_wait3A_187 = arith.constant 0 : i32
      %dma_wait3A_188 = tpu.memref_slice %arg4[%add3A_87, %dma_wait3A_187] : memref<425984x32xf32, #tpu.memory_space<hbm>> -> memref<1024x32xf32, #tpu.memory_space<hbm>>
      tpu.wait_dma2 semaphore(%run_scoped3A : memref<!tpu.dma_semaphore, #tpu.memory_space<semaphore_mem>>) src(%arg7 : memref<1024x32xf32, #tpu.memory_space<vmem>>) dst(%dma_wait3A_188 : memref<1024x32xf32, #tpu.memory_space<hbm>>)
      tpu.yield
    }) : () -> ()
    %dma_start3A_88 = arith.constant 7168 : i32
    %dma_start3A_89 = tpu.memref_slice %arg5[%dma_start3A_88] : memref<13312xi32, #tpu.memory_space<vmem>> -> memref<1024xi32, #tpu.memory_space<vmem>>
    %dma_start3A_90 = arith.constant 0 : i32
    %dma_start3A_91 = arith.constant 0 : i32
    %dma_start3A_92 = tpu.memref_slice %arg2[%dma_start3A_90, %dma_start3A_91] : memref<1015808x32xf32, #tpu.memory_space<hbm>> -> memref<1015808x32xf32, #tpu.memory_space<hbm>>
    tpu.enqueue_indirect_dma source(%dma_start3A_92 : memref<1015808x32xf32, #tpu.memory_space<hbm>>) target(%arg7 : memref<1024x32xf32, #tpu.memory_space<vmem>>) offsets(%dma_start3A_89 : memref<1024xi32, #tpu.memory_space<vmem>>) semaphore(%arg9 : memref<!tpu.dma_semaphore, #tpu.memory_space<semaphore_mem>>)
    %dma_wait3A_93 = arith.constant 6144 : i32
    %dma_wait3A_94 = tpu.memref_slice %arg5[%dma_wait3A_93] : memref<13312xi32, #tpu.memory_space<vmem>> -> memref<1024xi32, #tpu.memory_space<vmem>>
    %dma_wait3A_95 = arith.constant 0 : i32
    %dma_wait3A_96 = arith.constant 0 : i32
    %dma_wait3A_97 = tpu.memref_slice %arg2[%dma_wait3A_95, %dma_wait3A_96] : memref<1015808x32xf32, #tpu.memory_space<hbm>> -> memref<1015808x32xf32, #tpu.memory_space<hbm>>
    tpu.wait_indirect_dma semaphore(%arg8 : memref<!tpu.dma_semaphore, #tpu.memory_space<semaphore_mem>>) src(%dma_wait3A_97 : memref<1015808x32xf32, #tpu.memory_space<hbm>>) dst(%arg6 : memref<1024x32xf32, #tpu.memory_space<vmem>>)
    %mul3A_98 = arith.constant 13312 : i32
    %mul3A_99 = arith.muli %add3A, %mul3A_98 : i32
    %add3A_100 = arith.constant 6144 : i32
    %add3A_101 = arith.addi %mul3A_99, %add3A_100 : i32
    "tpu.region"() ({
      %run_scoped3A = tpu.sem_alloc : memref<!tpu.dma_semaphore, #tpu.memory_space<semaphore_mem>>
      %dma_start3A_181 = arith.constant 0 : i32
      %dma_start3A_182 = tpu.memref_slice %arg4[%add3A_101, %dma_start3A_181] : memref<425984x32xf32, #tpu.memory_space<hbm>> -> memref<1024x32xf32, #tpu.memory_space<hbm>>
      %dma_start3A_183 = arith.constant 0 : i32
      %dma_start3A_184 = tpu.memref_slice %arg4[%add3A_101, %dma_start3A_183] : memref<425984x32xf32, #tpu.memory_space<hbm>> -> memref<1024x32xf32, #tpu.memory_space<hbm>>
      tpu.enqueue_dma source(%arg6 : memref<1024x32xf32, #tpu.memory_space<vmem>>) target(%dma_start3A_184 : memref<1024x32xf32, #tpu.memory_space<hbm>>) target_semaphore(%run_scoped3A : memref<!tpu.dma_semaphore, #tpu.memory_space<semaphore_mem>>)
      %dma_wait3A_185 = arith.constant 0 : i32
      %dma_wait3A_186 = tpu.memref_slice %arg4[%add3A_101, %dma_wait3A_185] : memref<425984x32xf32, #tpu.memory_space<hbm>> -> memref<1024x32xf32, #tpu.memory_space<hbm>>
      %dma_wait3A_187 = arith.constant 0 : i32
      %dma_wait3A_188 = tpu.memref_slice %arg4[%add3A_101, %dma_wait3A_187] : memref<425984x32xf32, #tpu.memory_space<hbm>> -> memref<1024x32xf32, #tpu.memory_space<hbm>>
      tpu.wait_dma2 semaphore(%run_scoped3A : memref<!tpu.dma_semaphore, #tpu.memory_space<semaphore_mem>>) src(%arg6 : memref<1024x32xf32, #tpu.memory_space<vmem>>) dst(%dma_wait3A_188 : memref<1024x32xf32, #tpu.memory_space<hbm>>)
      tpu.yield
    }) : () -> ()
    %dma_start3A_102 = arith.constant 8192 : i32
    %dma_start3A_103 = tpu.memref_slice %arg5[%dma_start3A_102] : memref<13312xi32, #tpu.memory_space<vmem>> -> memref<1024xi32, #tpu.memory_space<vmem>>
    %dma_start3A_104 = arith.constant 0 : i32
    %dma_start3A_105 = arith.constant 0 : i32
    %dma_start3A_106 = tpu.memref_slice %arg2[%dma_start3A_104, %dma_start3A_105] : memref<1015808x32xf32, #tpu.memory_space<hbm>> -> memref<1015808x32xf32, #tpu.memory_space<hbm>>
    tpu.enqueue_indirect_dma source(%dma_start3A_106 : memref<1015808x32xf32, #tpu.memory_space<hbm>>) target(%arg6 : memref<1024x32xf32, #tpu.memory_space<vmem>>) offsets(%dma_start3A_103 : memref<1024xi32, #tpu.memory_space<vmem>>) semaphore(%arg8 : memref<!tpu.dma_semaphore, #tpu.memory_space<semaphore_mem>>)
    %dma_wait3A_107 = arith.constant 7168 : i32
    %dma_wait3A_108 = tpu.memref_slice %arg5[%dma_wait3A_107] : memref<13312xi32, #tpu.memory_space<vmem>> -> memref<1024xi32, #tpu.memory_space<vmem>>
    %dma_wait3A_109 = arith.constant 0 : i32
    %dma_wait3A_110 = arith.constant 0 : i32
    %dma_wait3A_111 = tpu.memref_slice %arg2[%dma_wait3A_109, %dma_wait3A_110] : memref<1015808x32xf32, #tpu.memory_space<hbm>> -> memref<1015808x32xf32, #tpu.memory_space<hbm>>
    tpu.wait_indirect_dma semaphore(%arg9 : memref<!tpu.dma_semaphore, #tpu.memory_space<semaphore_mem>>) src(%dma_wait3A_111 : memref<1015808x32xf32, #tpu.memory_space<hbm>>) dst(%arg7 : memref<1024x32xf32, #tpu.memory_space<vmem>>)
    %mul3A_112 = arith.constant 13312 : i32
    %mul3A_113 = arith.muli %add3A, %mul3A_112 : i32
    %add3A_114 = arith.constant 7168 : i32
    %add3A_115 = arith.addi %mul3A_113, %add3A_114 : i32
    "tpu.region"() ({
      %run_scoped3A = tpu.sem_alloc : memref<!tpu.dma_semaphore, #tpu.memory_space<semaphore_mem>>
      %dma_start3A_181 = arith.constant 0 : i32
      %dma_start3A_182 = tpu.memref_slice %arg4[%add3A_115, %dma_start3A_181] : memref<425984x32xf32, #tpu.memory_space<hbm>> -> memref<1024x32xf32, #tpu.memory_space<hbm>>
      %dma_start3A_183 = arith.constant 0 : i32
      %dma_start3A_184 = tpu.memref_slice %arg4[%add3A_115, %dma_start3A_183] : memref<425984x32xf32, #tpu.memory_space<hbm>> -> memref<1024x32xf32, #tpu.memory_space<hbm>>
      tpu.enqueue_dma source(%arg7 : memref<1024x32xf32, #tpu.memory_space<vmem>>) target(%dma_start3A_184 : memref<1024x32xf32, #tpu.memory_space<hbm>>) target_semaphore(%run_scoped3A : memref<!tpu.dma_semaphore, #tpu.memory_space<semaphore_mem>>)
      %dma_wait3A_185 = arith.constant 0 : i32
      %dma_wait3A_186 = tpu.memref_slice %arg4[%add3A_115, %dma_wait3A_185] : memref<425984x32xf32, #tpu.memory_space<hbm>> -> memref<1024x32xf32, #tpu.memory_space<hbm>>
      %dma_wait3A_187 = arith.constant 0 : i32
      %dma_wait3A_188 = tpu.memref_slice %arg4[%add3A_115, %dma_wait3A_187] : memref<425984x32xf32, #tpu.memory_space<hbm>> -> memref<1024x32xf32, #tpu.memory_space<hbm>>
      tpu.wait_dma2 semaphore(%run_scoped3A : memref<!tpu.dma_semaphore, #tpu.memory_space<semaphore_mem>>) src(%arg7 : memref<1024x32xf32, #tpu.memory_space<vmem>>) dst(%dma_wait3A_188 : memref<1024x32xf32, #tpu.memory_space<hbm>>)
      tpu.yield
    }) : () -> ()
    %dma_start3A_116 = arith.constant 9216 : i32
    %dma_start3A_117 = tpu.memref_slice %arg5[%dma_start3A_116] : memref<13312xi32, #tpu.memory_space<vmem>> -> memref<1024xi32, #tpu.memory_space<vmem>>
    %dma_start3A_118 = arith.constant 0 : i32
    %dma_start3A_119 = arith.constant 0 : i32
    %dma_start3A_120 = tpu.memref_slice %arg2[%dma_start3A_118, %dma_start3A_119] : memref<1015808x32xf32, #tpu.memory_space<hbm>> -> memref<1015808x32xf32, #tpu.memory_space<hbm>>
    tpu.enqueue_indirect_dma source(%dma_start3A_120 : memref<1015808x32xf32, #tpu.memory_space<hbm>>) target(%arg7 : memref<1024x32xf32, #tpu.memory_space<vmem>>) offsets(%dma_start3A_117 : memref<1024xi32, #tpu.memory_space<vmem>>) semaphore(%arg9 : memref<!tpu.dma_semaphore, #tpu.memory_space<semaphore_mem>>)
    %dma_wait3A_121 = arith.constant 8192 : i32
    %dma_wait3A_122 = tpu.memref_slice %arg5[%dma_wait3A_121] : memref<13312xi32, #tpu.memory_space<vmem>> -> memref<1024xi32, #tpu.memory_space<vmem>>
    %dma_wait3A_123 = arith.constant 0 : i32
    %dma_wait3A_124 = arith.constant 0 : i32
    %dma_wait3A_125 = tpu.memref_slice %arg2[%dma_wait3A_123, %dma_wait3A_124] : memref<1015808x32xf32, #tpu.memory_space<hbm>> -> memref<1015808x32xf32, #tpu.memory_space<hbm>>
    tpu.wait_indirect_dma semaphore(%arg8 : memref<!tpu.dma_semaphore, #tpu.memory_space<semaphore_mem>>) src(%dma_wait3A_125 : memref<1015808x32xf32, #tpu.memory_space<hbm>>) dst(%arg6 : memref<1024x32xf32, #tpu.memory_space<vmem>>)
    %mul3A_126 = arith.constant 13312 : i32
    %mul3A_127 = arith.muli %add3A, %mul3A_126 : i32
    %add3A_128 = arith.constant 8192 : i32
    %add3A_129 = arith.addi %mul3A_127, %add3A_128 : i32
    "tpu.region"() ({
      %run_scoped3A = tpu.sem_alloc : memref<!tpu.dma_semaphore, #tpu.memory_space<semaphore_mem>>
      %dma_start3A_181 = arith.constant 0 : i32
      %dma_start3A_182 = tpu.memref_slice %arg4[%add3A_129, %dma_start3A_181] : memref<425984x32xf32, #tpu.memory_space<hbm>> -> memref<1024x32xf32, #tpu.memory_space<hbm>>
      %dma_start3A_183 = arith.constant 0 : i32
      %dma_start3A_184 = tpu.memref_slice %arg4[%add3A_129, %dma_start3A_183] : memref<425984x32xf32, #tpu.memory_space<hbm>> -> memref<1024x32xf32, #tpu.memory_space<hbm>>
      tpu.enqueue_dma source(%arg6 : memref<1024x32xf32, #tpu.memory_space<vmem>>) target(%dma_start3A_184 : memref<1024x32xf32, #tpu.memory_space<hbm>>) target_semaphore(%run_scoped3A : memref<!tpu.dma_semaphore, #tpu.memory_space<semaphore_mem>>)
      %dma_wait3A_185 = arith.constant 0 : i32
      %dma_wait3A_186 = tpu.memref_slice %arg4[%add3A_129, %dma_wait3A_185] : memref<425984x32xf32, #tpu.memory_space<hbm>> -> memref<1024x32xf32, #tpu.memory_space<hbm>>
      %dma_wait3A_187 = arith.constant 0 : i32
      %dma_wait3A_188 = tpu.memref_slice %arg4[%add3A_129, %dma_wait3A_187] : memref<425984x32xf32, #tpu.memory_space<hbm>> -> memref<1024x32xf32, #tpu.memory_space<hbm>>
      tpu.wait_dma2 semaphore(%run_scoped3A : memref<!tpu.dma_semaphore, #tpu.memory_space<semaphore_mem>>) src(%arg6 : memref<1024x32xf32, #tpu.memory_space<vmem>>) dst(%dma_wait3A_188 : memref<1024x32xf32, #tpu.memory_space<hbm>>)
      tpu.yield
    }) : () -> ()
    %dma_start3A_130 = arith.constant 10240 : i32
    %dma_start3A_131 = tpu.memref_slice %arg5[%dma_start3A_130] : memref<13312xi32, #tpu.memory_space<vmem>> -> memref<1024xi32, #tpu.memory_space<vmem>>
    %dma_start3A_132 = arith.constant 0 : i32
    %dma_start3A_133 = arith.constant 0 : i32
    %dma_start3A_134 = tpu.memref_slice %arg2[%dma_start3A_132, %dma_start3A_133] : memref<1015808x32xf32, #tpu.memory_space<hbm>> -> memref<1015808x32xf32, #tpu.memory_space<hbm>>
    tpu.enqueue_indirect_dma source(%dma_start3A_134 : memref<1015808x32xf32, #tpu.memory_space<hbm>>) target(%arg6 : memref<1024x32xf32, #tpu.memory_space<vmem>>) offsets(%dma_start3A_131 : memref<1024xi32, #tpu.memory_space<vmem>>) semaphore(%arg8 : memref<!tpu.dma_semaphore, #tpu.memory_space<semaphore_mem>>)
    %dma_wait3A_135 = arith.constant 9216 : i32
    %dma_wait3A_136 = tpu.memref_slice %arg5[%dma_wait3A_135] : memref<13312xi32, #tpu.memory_space<vmem>> -> memref<1024xi32, #tpu.memory_space<vmem>>
    %dma_wait3A_137 = arith.constant 0 : i32
    %dma_wait3A_138 = arith.constant 0 : i32
    %dma_wait3A_139 = tpu.memref_slice %arg2[%dma_wait3A_137, %dma_wait3A_138] : memref<1015808x32xf32, #tpu.memory_space<hbm>> -> memref<1015808x32xf32, #tpu.memory_space<hbm>>
    tpu.wait_indirect_dma semaphore(%arg9 : memref<!tpu.dma_semaphore, #tpu.memory_space<semaphore_mem>>) src(%dma_wait3A_139 : memref<1015808x32xf32, #tpu.memory_space<hbm>>) dst(%arg7 : memref<1024x32xf32, #tpu.memory_space<vmem>>)
    %mul3A_140 = arith.constant 13312 : i32
    %mul3A_141 = arith.muli %add3A, %mul3A_140 : i32
    %add3A_142 = arith.constant 9216 : i32
    %add3A_143 = arith.addi %mul3A_141, %add3A_142 : i32
    "tpu.region"() ({
      %run_scoped3A = tpu.sem_alloc : memref<!tpu.dma_semaphore, #tpu.memory_space<semaphore_mem>>
      %dma_start3A_181 = arith.constant 0 : i32
      %dma_start3A_182 = tpu.memref_slice %arg4[%add3A_143, %dma_start3A_181] : memref<425984x32xf32, #tpu.memory_space<hbm>> -> memref<1024x32xf32, #tpu.memory_space<hbm>>
      %dma_start3A_183 = arith.constant 0 : i32
      %dma_start3A_184 = tpu.memref_slice %arg4[%add3A_143, %dma_start3A_183] : memref<425984x32xf32, #tpu.memory_space<hbm>> -> memref<1024x32xf32, #tpu.memory_space<hbm>>
      tpu.enqueue_dma source(%arg7 : memref<1024x32xf32, #tpu.memory_space<vmem>>) target(%dma_start3A_184 : memref<1024x32xf32, #tpu.memory_space<hbm>>) target_semaphore(%run_scoped3A : memref<!tpu.dma_semaphore, #tpu.memory_space<semaphore_mem>>)
      %dma_wait3A_185 = arith.constant 0 : i32
      %dma_wait3A_186 = tpu.memref_slice %arg4[%add3A_143, %dma_wait3A_185] : memref<425984x32xf32, #tpu.memory_space<hbm>> -> memref<1024x32xf32, #tpu.memory_space<hbm>>
      %dma_wait3A_187 = arith.constant 0 : i32
      %dma_wait3A_188 = tpu.memref_slice %arg4[%add3A_143, %dma_wait3A_187] : memref<425984x32xf32, #tpu.memory_space<hbm>> -> memref<1024x32xf32, #tpu.memory_space<hbm>>
      tpu.wait_dma2 semaphore(%run_scoped3A : memref<!tpu.dma_semaphore, #tpu.memory_space<semaphore_mem>>) src(%arg7 : memref<1024x32xf32, #tpu.memory_space<vmem>>) dst(%dma_wait3A_188 : memref<1024x32xf32, #tpu.memory_space<hbm>>)
      tpu.yield
    }) : () -> ()
    %dma_start3A_144 = arith.constant 11264 : i32
    %dma_start3A_145 = tpu.memref_slice %arg5[%dma_start3A_144] : memref<13312xi32, #tpu.memory_space<vmem>> -> memref<1024xi32, #tpu.memory_space<vmem>>
    %dma_start3A_146 = arith.constant 0 : i32
    %dma_start3A_147 = arith.constant 0 : i32
    %dma_start3A_148 = tpu.memref_slice %arg2[%dma_start3A_146, %dma_start3A_147] : memref<1015808x32xf32, #tpu.memory_space<hbm>> -> memref<1015808x32xf32, #tpu.memory_space<hbm>>
    tpu.enqueue_indirect_dma source(%dma_start3A_148 : memref<1015808x32xf32, #tpu.memory_space<hbm>>) target(%arg7 : memref<1024x32xf32, #tpu.memory_space<vmem>>) offsets(%dma_start3A_145 : memref<1024xi32, #tpu.memory_space<vmem>>) semaphore(%arg9 : memref<!tpu.dma_semaphore, #tpu.memory_space<semaphore_mem>>)
    %dma_wait3A_149 = arith.constant 10240 : i32
    %dma_wait3A_150 = tpu.memref_slice %arg5[%dma_wait3A_149] : memref<13312xi32, #tpu.memory_space<vmem>> -> memref<1024xi32, #tpu.memory_space<vmem>>
    %dma_wait3A_151 = arith.constant 0 : i32
    %dma_wait3A_152 = arith.constant 0 : i32
    %dma_wait3A_153 = tpu.memref_slice %arg2[%dma_wait3A_151, %dma_wait3A_152] : memref<1015808x32xf32, #tpu.memory_space<hbm>> -> memref<1015808x32xf32, #tpu.memory_space<hbm>>
    tpu.wait_indirect_dma semaphore(%arg8 : memref<!tpu.dma_semaphore, #tpu.memory_space<semaphore_mem>>) src(%dma_wait3A_153 : memref<1015808x32xf32, #tpu.memory_space<hbm>>) dst(%arg6 : memref<1024x32xf32, #tpu.memory_space<vmem>>)
    %mul3A_154 = arith.constant 13312 : i32
    %mul3A_155 = arith.muli %add3A, %mul3A_154 : i32
    %add3A_156 = arith.constant 10240 : i32
    %add3A_157 = arith.addi %mul3A_155, %add3A_156 : i32
    "tpu.region"() ({
      %run_scoped3A = tpu.sem_alloc : memref<!tpu.dma_semaphore, #tpu.memory_space<semaphore_mem>>
      %dma_start3A_181 = arith.constant 0 : i32
      %dma_start3A_182 = tpu.memref_slice %arg4[%add3A_157, %dma_start3A_181] : memref<425984x32xf32, #tpu.memory_space<hbm>> -> memref<1024x32xf32, #tpu.memory_space<hbm>>
      %dma_start3A_183 = arith.constant 0 : i32
      %dma_start3A_184 = tpu.memref_slice %arg4[%add3A_157, %dma_start3A_183] : memref<425984x32xf32, #tpu.memory_space<hbm>> -> memref<1024x32xf32, #tpu.memory_space<hbm>>
      tpu.enqueue_dma source(%arg6 : memref<1024x32xf32, #tpu.memory_space<vmem>>) target(%dma_start3A_184 : memref<1024x32xf32, #tpu.memory_space<hbm>>) target_semaphore(%run_scoped3A : memref<!tpu.dma_semaphore, #tpu.memory_space<semaphore_mem>>)
      %dma_wait3A_185 = arith.constant 0 : i32
      %dma_wait3A_186 = tpu.memref_slice %arg4[%add3A_157, %dma_wait3A_185] : memref<425984x32xf32, #tpu.memory_space<hbm>> -> memref<1024x32xf32, #tpu.memory_space<hbm>>
      %dma_wait3A_187 = arith.constant 0 : i32
      %dma_wait3A_188 = tpu.memref_slice %arg4[%add3A_157, %dma_wait3A_187] : memref<425984x32xf32, #tpu.memory_space<hbm>> -> memref<1024x32xf32, #tpu.memory_space<hbm>>
      tpu.wait_dma2 semaphore(%run_scoped3A : memref<!tpu.dma_semaphore, #tpu.memory_space<semaphore_mem>>) src(%arg6 : memref<1024x32xf32, #tpu.memory_space<vmem>>) dst(%dma_wait3A_188 : memref<1024x32xf32, #tpu.memory_space<hbm>>)
      tpu.yield
    }) : () -> ()
    %dma_start3A_158 = arith.constant 12288 : i32
    %dma_start3A_159 = tpu.memref_slice %arg5[%dma_start3A_158] : memref<13312xi32, #tpu.memory_space<vmem>> -> memref<1024xi32, #tpu.memory_space<vmem>>
    %dma_start3A_160 = arith.constant 0 : i32
    %dma_start3A_161 = arith.constant 0 : i32
    %dma_start3A_162 = tpu.memref_slice %arg2[%dma_start3A_160, %dma_start3A_161] : memref<1015808x32xf32, #tpu.memory_space<hbm>> -> memref<1015808x32xf32, #tpu.memory_space<hbm>>
    tpu.enqueue_indirect_dma source(%dma_start3A_162 : memref<1015808x32xf32, #tpu.memory_space<hbm>>) target(%arg6 : memref<1024x32xf32, #tpu.memory_space<vmem>>) offsets(%dma_start3A_159 : memref<1024xi32, #tpu.memory_space<vmem>>) semaphore(%arg8 : memref<!tpu.dma_semaphore, #tpu.memory_space<semaphore_mem>>)
    %dma_wait3A_163 = arith.constant 11264 : i32
    %dma_wait3A_164 = tpu.memref_slice %arg5[%dma_wait3A_163] : memref<13312xi32, #tpu.memory_space<vmem>> -> memref<1024xi32, #tpu.memory_space<vmem>>
    %dma_wait3A_165 = arith.constant 0 : i32
    %dma_wait3A_166 = arith.constant 0 : i32
    %dma_wait3A_167 = tpu.memref_slice %arg2[%dma_wait3A_165, %dma_wait3A_166] : memref<1015808x32xf32, #tpu.memory_space<hbm>> -> memref<1015808x32xf32, #tpu.memory_space<hbm>>
    tpu.wait_indirect_dma semaphore(%arg9 : memref<!tpu.dma_semaphore, #tpu.memory_space<semaphore_mem>>) src(%dma_wait3A_167 : memref<1015808x32xf32, #tpu.memory_space<hbm>>) dst(%arg7 : memref<1024x32xf32, #tpu.memory_space<vmem>>)
    %mul3A_168 = arith.constant 13312 : i32
    %mul3A_169 = arith.muli %add3A, %mul3A_168 : i32
    %add3A_170 = arith.constant 11264 : i32
    %add3A_171 = arith.addi %mul3A_169, %add3A_170 : i32
    "tpu.region"() ({
      %run_scoped3A = tpu.sem_alloc : memref<!tpu.dma_semaphore, #tpu.memory_space<semaphore_mem>>
      %dma_start3A_181 = arith.constant 0 : i32
      %dma_start3A_182 = tpu.memref_slice %arg4[%add3A_171, %dma_start3A_181] : memref<425984x32xf32, #tpu.memory_space<hbm>> -> memref<1024x32xf32, #tpu.memory_space<hbm>>
      %dma_start3A_183 = arith.constant 0 : i32
      %dma_start3A_184 = tpu.memref_slice %arg4[%add3A_171, %dma_start3A_183] : memref<425984x32xf32, #tpu.memory_space<hbm>> -> memref<1024x32xf32, #tpu.memory_space<hbm>>
      tpu.enqueue_dma source(%arg7 : memref<1024x32xf32, #tpu.memory_space<vmem>>) target(%dma_start3A_184 : memref<1024x32xf32, #tpu.memory_space<hbm>>) target_semaphore(%run_scoped3A : memref<!tpu.dma_semaphore, #tpu.memory_space<semaphore_mem>>)
      %dma_wait3A_185 = arith.constant 0 : i32
      %dma_wait3A_186 = tpu.memref_slice %arg4[%add3A_171, %dma_wait3A_185] : memref<425984x32xf32, #tpu.memory_space<hbm>> -> memref<1024x32xf32, #tpu.memory_space<hbm>>
      %dma_wait3A_187 = arith.constant 0 : i32
      %dma_wait3A_188 = tpu.memref_slice %arg4[%add3A_171, %dma_wait3A_187] : memref<425984x32xf32, #tpu.memory_space<hbm>> -> memref<1024x32xf32, #tpu.memory_space<hbm>>
      tpu.wait_dma2 semaphore(%run_scoped3A : memref<!tpu.dma_semaphore, #tpu.memory_space<semaphore_mem>>) src(%arg7 : memref<1024x32xf32, #tpu.memory_space<vmem>>) dst(%dma_wait3A_188 : memref<1024x32xf32, #tpu.memory_space<hbm>>)
      tpu.yield
    }) : () -> ()
    %dma_wait3A_172 = arith.constant 12288 : i32
    %dma_wait3A_173 = tpu.memref_slice %arg5[%dma_wait3A_172] : memref<13312xi32, #tpu.memory_space<vmem>> -> memref<1024xi32, #tpu.memory_space<vmem>>
    %dma_wait3A_174 = arith.constant 0 : i32
    %dma_wait3A_175 = arith.constant 0 : i32
    %dma_wait3A_176 = tpu.memref_slice %arg2[%dma_wait3A_174, %dma_wait3A_175] : memref<1015808x32xf32, #tpu.memory_space<hbm>> -> memref<1015808x32xf32, #tpu.memory_space<hbm>>
    tpu.wait_indirect_dma semaphore(%arg8 : memref<!tpu.dma_semaphore, #tpu.memory_space<semaphore_mem>>) src(%dma_wait3A_176 : memref<1015808x32xf32, #tpu.memory_space<hbm>>) dst(%arg6 : memref<1024x32xf32, #tpu.memory_space<vmem>>)
    %mul3A_177 = arith.constant 13312 : i32
    %mul3A_178 = arith.muli %add3A, %mul3A_177 : i32
    %add3A_179 = arith.constant 12288 : i32
    %add3A_180 = arith.addi %mul3A_178, %add3A_179 : i32
    "tpu.region"() ({
      %run_scoped3A = tpu.sem_alloc : memref<!tpu.dma_semaphore, #tpu.memory_space<semaphore_mem>>
      %dma_start3A_181 = arith.constant 0 : i32
      %dma_start3A_182 = tpu.memref_slice %arg4[%add3A_180, %dma_start3A_181] : memref<425984x32xf32, #tpu.memory_space<hbm>> -> memref<1024x32xf32, #tpu.memory_space<hbm>>
      %dma_start3A_183 = arith.constant 0 : i32
      %dma_start3A_184 = tpu.memref_slice %arg4[%add3A_180, %dma_start3A_183] : memref<425984x32xf32, #tpu.memory_space<hbm>> -> memref<1024x32xf32, #tpu.memory_space<hbm>>
      tpu.enqueue_dma source(%arg6 : memref<1024x32xf32, #tpu.memory_space<vmem>>) target(%dma_start3A_184 : memref<1024x32xf32, #tpu.memory_space<hbm>>) target_semaphore(%run_scoped3A : memref<!tpu.dma_semaphore, #tpu.memory_space<semaphore_mem>>)
      %dma_wait3A_185 = arith.constant 0 : i32
      %dma_wait3A_186 = tpu.memref_slice %arg4[%add3A_180, %dma_wait3A_185] : memref<425984x32xf32, #tpu.memory_space<hbm>> -> memref<1024x32xf32, #tpu.memory_space<hbm>>
      %dma_wait3A_187 = arith.constant 0 : i32
      %dma_wait3A_188 = tpu.memref_slice %arg4[%add3A_180, %dma_wait3A_187] : memref<425984x32xf32, #tpu.memory_space<hbm>> -> memref<1024x32xf32, #tpu.memory_space<hbm>>
      tpu.wait_dma2 semaphore(%run_scoped3A : memref<!tpu.dma_semaphore, #tpu.memory_space<semaphore_mem>>) src(%arg6 : memref<1024x32xf32, #tpu.memory_space<vmem>>) dst(%dma_wait3A_188 : memref<1024x32xf32, #tpu.memory_space<hbm>>)
      tpu.yield
    }) : () -> ()
    return
  }
}

module attributes {stable_mosaic.version = 14 : i64} {
  func.func @_tc_normalize_body(%arg0: i32, %arg1: memref<32x32768xf32, #tpu.memory_space<vmem>>, %arg2: memref<8192x128xf32, #tpu.memory_space<vmem>>) attributes {dimension_semantics = [#tpu.dimension_semantics<arbitrary>], iteration_bounds = array<i64: 31>, scalar_prefetch = 0 : i64, scratch_operands = 0 : i64, tpu.core_type = #tpu.core_type<tc>, window_params = [{transform_indices = @transform_0, window_bounds = array<i64: 32, 32768>}, {transform_indices = @transform_1, window_bounds = array<i64: 8192, 128>}]} {
    %iota3A = tpu.iota {dimensions = array<i32: 0>} : vector<32x32xi32>
    %iota3A_0 = tpu.iota {dimensions = array<i32: 1>} : vector<32x32xi32>
    %eq3A = arith.cmpi eq, %iota3A, %iota3A_0 : vector<32x32xi32>
    %convert_element_type3A = arith.extui %eq3A : vector<32x32xi1> to vector<32x32xi32>
    %convert_element_type3A_1 = arith.sitofp %convert_element_type3A : vector<32x32xi32> to vector<32x32xf32>
    %get3A = arith.constant 0 : index
    %get3A_2 = arith.constant 0 : index
    %get3A_3 = vector.load %arg1[%get3A, %get3A_2] : memref<32x32768xf32, #tpu.memory_space<vmem>>, vector<32x2048xf32>
    %mul3A = arith.mulf %get3A_3, %get3A_3 : vector<32x2048xf32>
    %reduce_sum3A = arith.constant dense<0.000000e+00> : vector<2048xf32>
    %reduce_sum3A_4 = vector.multi_reduction <add>, %mul3A, %reduce_sum3A [0] : vector<32x2048xf32> to vector<2048xf32>
    %rsqrt3A = math.rsqrt %reduce_sum3A_4 : vector<2048xf32>
    %broadcast_in_dim3A = vector.shape_cast %rsqrt3A : vector<2048xf32> to vector<1x2048xf32>
    %mul3A_5 = vector.broadcast %broadcast_in_dim3A : vector<1x2048xf32> to vector<32x2048xf32>
    %mul3A_6 = arith.mulf %get3A_3, %mul3A_5 : vector<32x2048xf32>
    %dot_general3A = arith.constant dense<0.000000e+00> : vector<2048x32xf32>
    %dot_general3A_7 = tpu.matmul %mul3A_6, %convert_element_type3A_1, %dot_general3A {dimension_numbers = #tpu.dot_dimension_numbers<[0], [0], [1], [1], [0, 1, 1, 1], [], []>, transpose_lhs_hint = false} : vector<32x2048xf32>, vector<32x32xf32>, vector<2048x32xf32> -> vector<2048x32xf32>
    %swap3A = arith.constant 0 : index
    %swap3A_8 = arith.constant 0 : index
    %swap3A_9 = vector.load %arg2[%swap3A, %swap3A_8] : memref<8192x128xf32, #tpu.memory_space<vmem>>, vector<2048x32xf32>
    tpu.vector_store %arg2[%swap3A, %swap3A_8], %dot_general3A_7 {strides = array<i32>} : memref<8192x128xf32, #tpu.memory_space<vmem>>, vector<2048x32xf32>,
    %get3A_10 = arith.constant 0 : index
    %get3A_11 = arith.constant 2048 : index
    %get3A_12 = vector.load %arg1[%get3A_10, %get3A_11] : memref<32x32768xf32, #tpu.memory_space<vmem>>, vector<32x2048xf32>
    %mul3A_13 = arith.mulf %get3A_12, %get3A_12 : vector<32x2048xf32>
    %reduce_sum3A_14 = arith.constant dense<0.000000e+00> : vector<2048xf32>
    %reduce_sum3A_15 = vector.multi_reduction <add>, %mul3A_13, %reduce_sum3A_14 [0] : vector<32x2048xf32> to vector<2048xf32>
    %rsqrt3A_16 = math.rsqrt %reduce_sum3A_15 : vector<2048xf32>
    %broadcast_in_dim3A_17 = vector.shape_cast %rsqrt3A_16 : vector<2048xf32> to vector<1x2048xf32>
    %mul3A_18 = vector.broadcast %broadcast_in_dim3A_17 : vector<1x2048xf32> to vector<32x2048xf32>
    %mul3A_19 = arith.mulf %get3A_12, %mul3A_18 : vector<32x2048xf32>
    %dot_general3A_20 = arith.constant dense<0.000000e+00> : vector<2048x32xf32>
    %dot_general3A_21 = tpu.matmul %mul3A_19, %convert_element_type3A_1, %dot_general3A_20 {dimension_numbers = #tpu.dot_dimension_numbers<[0], [0], [1], [1], [0, 1, 1, 1], [], []>, transpose_lhs_hint = false} : vector<32x2048xf32>, vector<32x32xf32>, vector<2048x32xf32> -> vector<2048x32xf32>
    %swap3A_22 = arith.constant 0 : index
    %swap3A_23 = arith.constant 32 : index
    %swap3A_24 = vector.load %arg2[%swap3A_22, %swap3A_23] : memref<8192x128xf32, #tpu.memory_space<vmem>>, vector<2048x32xf32>
    tpu.vector_store %arg2[%swap3A_22, %swap3A_23], %dot_general3A_21 {strides = array<i32>} : memref<8192x128xf32, #tpu.memory_space<vmem>>, vector<2048x32xf32>,
    %get3A_25 = arith.constant 0 : index
    %get3A_26 = arith.constant 4096 : index
    %get3A_27 = vector.load %arg1[%get3A_25, %get3A_26] : memref<32x32768xf32, #tpu.memory_space<vmem>>, vector<32x2048xf32>
    %mul3A_28 = arith.mulf %get3A_27, %get3A_27 : vector<32x2048xf32>
    %reduce_sum3A_29 = arith.constant dense<0.000000e+00> : vector<2048xf32>
    %reduce_sum3A_30 = vector.multi_reduction <add>, %mul3A_28, %reduce_sum3A_29 [0] : vector<32x2048xf32> to vector<2048xf32>
    %rsqrt3A_31 = math.rsqrt %reduce_sum3A_30 : vector<2048xf32>
    %broadcast_in_dim3A_32 = vector.shape_cast %rsqrt3A_31 : vector<2048xf32> to vector<1x2048xf32>
    %mul3A_33 = vector.broadcast %broadcast_in_dim3A_32 : vector<1x2048xf32> to vector<32x2048xf32>
    %mul3A_34 = arith.mulf %get3A_27, %mul3A_33 : vector<32x2048xf32>
    %dot_general3A_35 = arith.constant dense<0.000000e+00> : vector<2048x32xf32>
    %dot_general3A_36 = tpu.matmul %mul3A_34, %convert_element_type3A_1, %dot_general3A_35 {dimension_numbers = #tpu.dot_dimension_numbers<[0], [0], [1], [1], [0, 1, 1, 1], [], []>, transpose_lhs_hint = false} : vector<32x2048xf32>, vector<32x32xf32>, vector<2048x32xf32> -> vector<2048x32xf32>
    %swap3A_37 = arith.constant 0 : index
    %swap3A_38 = arith.constant 64 : index
    %swap3A_39 = vector.load %arg2[%swap3A_37, %swap3A_38] : memref<8192x128xf32, #tpu.memory_space<vmem>>, vector<2048x32xf32>
    tpu.vector_store %arg2[%swap3A_37, %swap3A_38], %dot_general3A_36 {strides = array<i32>} : memref<8192x128xf32, #tpu.memory_space<vmem>>, vector<2048x32xf32>,
    %get3A_40 = arith.constant 0 : index
    %get3A_41 = arith.constant 6144 : index
    %get3A_42 = vector.load %arg1[%get3A_40, %get3A_41] : memref<32x32768xf32, #tpu.memory_space<vmem>>, vector<32x2048xf32>
    %mul3A_43 = arith.mulf %get3A_42, %get3A_42 : vector<32x2048xf32>
    %reduce_sum3A_44 = arith.constant dense<0.000000e+00> : vector<2048xf32>
    %reduce_sum3A_45 = vector.multi_reduction <add>, %mul3A_43, %reduce_sum3A_44 [0] : vector<32x2048xf32> to vector<2048xf32>
    %rsqrt3A_46 = math.rsqrt %reduce_sum3A_45 : vector<2048xf32>
    %broadcast_in_dim3A_47 = vector.shape_cast %rsqrt3A_46 : vector<2048xf32> to vector<1x2048xf32>
    %mul3A_48 = vector.broadcast %broadcast_in_dim3A_47 : vector<1x2048xf32> to vector<32x2048xf32>
    %mul3A_49 = arith.mulf %get3A_42, %mul3A_48 : vector<32x2048xf32>
    %dot_general3A_50 = arith.constant dense<0.000000e+00> : vector<2048x32xf32>
    %dot_general3A_51 = tpu.matmul %mul3A_49, %convert_element_type3A_1, %dot_general3A_50 {dimension_numbers = #tpu.dot_dimension_numbers<[0], [0], [1], [1], [0, 1, 1, 1], [], []>, transpose_lhs_hint = false} : vector<32x2048xf32>, vector<32x32xf32>, vector<2048x32xf32> -> vector<2048x32xf32>
    %swap3A_52 = arith.constant 0 : index
    %swap3A_53 = arith.constant 96 : index
    %swap3A_54 = vector.load %arg2[%swap3A_52, %swap3A_53] : memref<8192x128xf32, #tpu.memory_space<vmem>>, vector<2048x32xf32>
    tpu.vector_store %arg2[%swap3A_52, %swap3A_53], %dot_general3A_51 {strides = array<i32>} : memref<8192x128xf32, #tpu.memory_space<vmem>>, vector<2048x32xf32>,
    %get3A_55 = arith.constant 0 : index
    %get3A_56 = arith.constant 8192 : index
    %get3A_57 = vector.load %arg1[%get3A_55, %get3A_56] : memref<32x32768xf32, #tpu.memory_space<vmem>>, vector<32x2048xf32>
    %mul3A_58 = arith.mulf %get3A_57, %get3A_57 : vector<32x2048xf32>
    %reduce_sum3A_59 = arith.constant dense<0.000000e+00> : vector<2048xf32>
    %reduce_sum3A_60 = vector.multi_reduction <add>, %mul3A_58, %reduce_sum3A_59 [0] : vector<32x2048xf32> to vector<2048xf32>
    %rsqrt3A_61 = math.rsqrt %reduce_sum3A_60 : vector<2048xf32>
    %broadcast_in_dim3A_62 = vector.shape_cast %rsqrt3A_61 : vector<2048xf32> to vector<1x2048xf32>
    %mul3A_63 = vector.broadcast %broadcast_in_dim3A_62 : vector<1x2048xf32> to vector<32x2048xf32>
    %mul3A_64 = arith.mulf %get3A_57, %mul3A_63 : vector<32x2048xf32>
    %dot_general3A_65 = arith.constant dense<0.000000e+00> : vector<2048x32xf32>
    %dot_general3A_66 = tpu.matmul %mul3A_64, %convert_element_type3A_1, %dot_general3A_65 {dimension_numbers = #tpu.dot_dimension_numbers<[0], [0], [1], [1], [0, 1, 1, 1], [], []>, transpose_lhs_hint = false} : vector<32x2048xf32>, vector<32x32xf32>, vector<2048x32xf32> -> vector<2048x32xf32>
    %swap3A_67 = arith.constant 2048 : index
    %swap3A_68 = arith.constant 0 : index
    %swap3A_69 = vector.load %arg2[%swap3A_67, %swap3A_68] : memref<8192x128xf32, #tpu.memory_space<vmem>>, vector<2048x32xf32>
    tpu.vector_store %arg2[%swap3A_67, %swap3A_68], %dot_general3A_66 {strides = array<i32>} : memref<8192x128xf32, #tpu.memory_space<vmem>>, vector<2048x32xf32>,
    %get3A_70 = arith.constant 0 : index
    %get3A_71 = arith.constant 10240 : index
    %get3A_72 = vector.load %arg1[%get3A_70, %get3A_71] : memref<32x32768xf32, #tpu.memory_space<vmem>>, vector<32x2048xf32>
    %mul3A_73 = arith.mulf %get3A_72, %get3A_72 : vector<32x2048xf32>
    %reduce_sum3A_74 = arith.constant dense<0.000000e+00> : vector<2048xf32>
    %reduce_sum3A_75 = vector.multi_reduction <add>, %mul3A_73, %reduce_sum3A_74 [0] : vector<32x2048xf32> to vector<2048xf32>
    %rsqrt3A_76 = math.rsqrt %reduce_sum3A_75 : vector<2048xf32>
    %broadcast_in_dim3A_77 = vector.shape_cast %rsqrt3A_76 : vector<2048xf32> to vector<1x2048xf32>
    %mul3A_78 = vector.broadcast %broadcast_in_dim3A_77 : vector<1x2048xf32> to vector<32x2048xf32>
    %mul3A_79 = arith.mulf %get3A_72, %mul3A_78 : vector<32x2048xf32>
    %dot_general3A_80 = arith.constant dense<0.000000e+00> : vector<2048x32xf32>
    %dot_general3A_81 = tpu.matmul %mul3A_79, %convert_element_type3A_1, %dot_general3A_80 {dimension_numbers = #tpu.dot_dimension_numbers<[0], [0], [1], [1], [0, 1, 1, 1], [], []>, transpose_lhs_hint = false} : vector<32x2048xf32>, vector<32x32xf32>, vector<2048x32xf32> -> vector<2048x32xf32>
    %swap3A_82 = arith.constant 2048 : index
    %swap3A_83 = arith.constant 32 : index
    %swap3A_84 = vector.load %arg2[%swap3A_82, %swap3A_83] : memref<8192x128xf32, #tpu.memory_space<vmem>>, vector<2048x32xf32>
    tpu.vector_store %arg2[%swap3A_82, %swap3A_83], %dot_general3A_81 {strides = array<i32>} : memref<8192x128xf32, #tpu.memory_space<vmem>>, vector<2048x32xf32>,
    %get3A_85 = arith.constant 0 : index
    %get3A_86 = arith.constant 12288 : index
    %get3A_87 = vector.load %arg1[%get3A_85, %get3A_86] : memref<32x32768xf32, #tpu.memory_space<vmem>>, vector<32x2048xf32>
    %mul3A_88 = arith.mulf %get3A_87, %get3A_87 : vector<32x2048xf32>
    %reduce_sum3A_89 = arith.constant dense<0.000000e+00> : vector<2048xf32>
    %reduce_sum3A_90 = vector.multi_reduction <add>, %mul3A_88, %reduce_sum3A_89 [0] : vector<32x2048xf32> to vector<2048xf32>
    %rsqrt3A_91 = math.rsqrt %reduce_sum3A_90 : vector<2048xf32>
    %broadcast_in_dim3A_92 = vector.shape_cast %rsqrt3A_91 : vector<2048xf32> to vector<1x2048xf32>
    %mul3A_93 = vector.broadcast %broadcast_in_dim3A_92 : vector<1x2048xf32> to vector<32x2048xf32>
    %mul3A_94 = arith.mulf %get3A_87, %mul3A_93 : vector<32x2048xf32>
    %dot_general3A_95 = arith.constant dense<0.000000e+00> : vector<2048x32xf32>
    %dot_general3A_96 = tpu.matmul %mul3A_94, %convert_element_type3A_1, %dot_general3A_95 {dimension_numbers = #tpu.dot_dimension_numbers<[0], [0], [1], [1], [0, 1, 1, 1], [], []>, transpose_lhs_hint = false} : vector<32x2048xf32>, vector<32x32xf32>, vector<2048x32xf32> -> vector<2048x32xf32>
    %swap3A_97 = arith.constant 2048 : index
    %swap3A_98 = arith.constant 64 : index
    %swap3A_99 = vector.load %arg2[%swap3A_97, %swap3A_98] : memref<8192x128xf32, #tpu.memory_space<vmem>>, vector<2048x32xf32>
    tpu.vector_store %arg2[%swap3A_97, %swap3A_98], %dot_general3A_96 {strides = array<i32>} : memref<8192x128xf32, #tpu.memory_space<vmem>>, vector<2048x32xf32>,
    %get3A_100 = arith.constant 0 : index
    %get3A_101 = arith.constant 14336 : index
    %get3A_102 = vector.load %arg1[%get3A_100, %get3A_101] : memref<32x32768xf32, #tpu.memory_space<vmem>>, vector<32x2048xf32>
    %mul3A_103 = arith.mulf %get3A_102, %get3A_102 : vector<32x2048xf32>
    %reduce_sum3A_104 = arith.constant dense<0.000000e+00> : vector<2048xf32>
    %reduce_sum3A_105 = vector.multi_reduction <add>, %mul3A_103, %reduce_sum3A_104 [0] : vector<32x2048xf32> to vector<2048xf32>
    %rsqrt3A_106 = math.rsqrt %reduce_sum3A_105 : vector<2048xf32>
    %broadcast_in_dim3A_107 = vector.shape_cast %rsqrt3A_106 : vector<2048xf32> to vector<1x2048xf32>
    %mul3A_108 = vector.broadcast %broadcast_in_dim3A_107 : vector<1x2048xf32> to vector<32x2048xf32>
    %mul3A_109 = arith.mulf %get3A_102, %mul3A_108 : vector<32x2048xf32>
    %dot_general3A_110 = arith.constant dense<0.000000e+00> : vector<2048x32xf32>
    %dot_general3A_111 = tpu.matmul %mul3A_109, %convert_element_type3A_1, %dot_general3A_110 {dimension_numbers = #tpu.dot_dimension_numbers<[0], [0], [1], [1], [0, 1, 1, 1], [], []>, transpose_lhs_hint = false} : vector<32x2048xf32>, vector<32x32xf32>, vector<2048x32xf32> -> vector<2048x32xf32>
    %swap3A_112 = arith.constant 2048 : index
    %swap3A_113 = arith.constant 96 : index
    %swap3A_114 = vector.load %arg2[%swap3A_112, %swap3A_113] : memref<8192x128xf32, #tpu.memory_space<vmem>>, vector<2048x32xf32>
    tpu.vector_store %arg2[%swap3A_112, %swap3A_113], %dot_general3A_111 {strides = array<i32>} : memref<8192x128xf32, #tpu.memory_space<vmem>>, vector<2048x32xf32>,
    %get3A_115 = arith.constant 0 : index
    %get3A_116 = arith.constant 16384 : index
    %get3A_117 = vector.load %arg1[%get3A_115, %get3A_116] : memref<32x32768xf32, #tpu.memory_space<vmem>>, vector<32x2048xf32>
    %mul3A_118 = arith.mulf %get3A_117, %get3A_117 : vector<32x2048xf32>
    %reduce_sum3A_119 = arith.constant dense<0.000000e+00> : vector<2048xf32>
    %reduce_sum3A_120 = vector.multi_reduction <add>, %mul3A_118, %reduce_sum3A_119 [0] : vector<32x2048xf32> to vector<2048xf32>
    %rsqrt3A_121 = math.rsqrt %reduce_sum3A_120 : vector<2048xf32>
    %broadcast_in_dim3A_122 = vector.shape_cast %rsqrt3A_121 : vector<2048xf32> to vector<1x2048xf32>
    %mul3A_123 = vector.broadcast %broadcast_in_dim3A_122 : vector<1x2048xf32> to vector<32x2048xf32>
    %mul3A_124 = arith.mulf %get3A_117, %mul3A_123 : vector<32x2048xf32>
    %dot_general3A_125 = arith.constant dense<0.000000e+00> : vector<2048x32xf32>
    %dot_general3A_126 = tpu.matmul %mul3A_124, %convert_element_type3A_1, %dot_general3A_125 {dimension_numbers = #tpu.dot_dimension_numbers<[0], [0], [1], [1], [0, 1, 1, 1], [], []>, transpose_lhs_hint = false} : vector<32x2048xf32>, vector<32x32xf32>, vector<2048x32xf32> -> vector<2048x32xf32>
    %swap3A_127 = arith.constant 4096 : index
    %swap3A_128 = arith.constant 0 : index
    %swap3A_129 = vector.load %arg2[%swap3A_127, %swap3A_128] : memref<8192x128xf32, #tpu.memory_space<vmem>>, vector<2048x32xf32>
    tpu.vector_store %arg2[%swap3A_127, %swap3A_128], %dot_general3A_126 {strides = array<i32>} : memref<8192x128xf32, #tpu.memory_space<vmem>>, vector<2048x32xf32>,
    %get3A_130 = arith.constant 0 : index
    %get3A_131 = arith.constant 18432 : index
    %get3A_132 = vector.load %arg1[%get3A_130, %get3A_131] : memref<32x32768xf32, #tpu.memory_space<vmem>>, vector<32x2048xf32>
    %mul3A_133 = arith.mulf %get3A_132, %get3A_132 : vector<32x2048xf32>
    %reduce_sum3A_134 = arith.constant dense<0.000000e+00> : vector<2048xf32>
    %reduce_sum3A_135 = vector.multi_reduction <add>, %mul3A_133, %reduce_sum3A_134 [0] : vector<32x2048xf32> to vector<2048xf32>
    %rsqrt3A_136 = math.rsqrt %reduce_sum3A_135 : vector<2048xf32>
    %broadcast_in_dim3A_137 = vector.shape_cast %rsqrt3A_136 : vector<2048xf32> to vector<1x2048xf32>
    %mul3A_138 = vector.broadcast %broadcast_in_dim3A_137 : vector<1x2048xf32> to vector<32x2048xf32>
    %mul3A_139 = arith.mulf %get3A_132, %mul3A_138 : vector<32x2048xf32>
    %dot_general3A_140 = arith.constant dense<0.000000e+00> : vector<2048x32xf32>
    %dot_general3A_141 = tpu.matmul %mul3A_139, %convert_element_type3A_1, %dot_general3A_140 {dimension_numbers = #tpu.dot_dimension_numbers<[0], [0], [1], [1], [0, 1, 1, 1], [], []>, transpose_lhs_hint = false} : vector<32x2048xf32>, vector<32x32xf32>, vector<2048x32xf32> -> vector<2048x32xf32>
    %swap3A_142 = arith.constant 4096 : index
    %swap3A_143 = arith.constant 32 : index
    %swap3A_144 = vector.load %arg2[%swap3A_142, %swap3A_143] : memref<8192x128xf32, #tpu.memory_space<vmem>>, vector<2048x32xf32>
    tpu.vector_store %arg2[%swap3A_142, %swap3A_143], %dot_general3A_141 {strides = array<i32>} : memref<8192x128xf32, #tpu.memory_space<vmem>>, vector<2048x32xf32>,
    %get3A_145 = arith.constant 0 : index
    %get3A_146 = arith.constant 20480 : index
    %get3A_147 = vector.load %arg1[%get3A_145, %get3A_146] : memref<32x32768xf32, #tpu.memory_space<vmem>>, vector<32x2048xf32>
    %mul3A_148 = arith.mulf %get3A_147, %get3A_147 : vector<32x2048xf32>
    %reduce_sum3A_149 = arith.constant dense<0.000000e+00> : vector<2048xf32>
    %reduce_sum3A_150 = vector.multi_reduction <add>, %mul3A_148, %reduce_sum3A_149 [0] : vector<32x2048xf32> to vector<2048xf32>
    %rsqrt3A_151 = math.rsqrt %reduce_sum3A_150 : vector<2048xf32>
    %broadcast_in_dim3A_152 = vector.shape_cast %rsqrt3A_151 : vector<2048xf32> to vector<1x2048xf32>
    %mul3A_153 = vector.broadcast %broadcast_in_dim3A_152 : vector<1x2048xf32> to vector<32x2048xf32>
    %mul3A_154 = arith.mulf %get3A_147, %mul3A_153 : vector<32x2048xf32>
    %dot_general3A_155 = arith.constant dense<0.000000e+00> : vector<2048x32xf32>
    %dot_general3A_156 = tpu.matmul %mul3A_154, %convert_element_type3A_1, %dot_general3A_155 {dimension_numbers = #tpu.dot_dimension_numbers<[0], [0], [1], [1], [0, 1, 1, 1], [], []>, transpose_lhs_hint = false} : vector<32x2048xf32>, vector<32x32xf32>, vector<2048x32xf32> -> vector<2048x32xf32>
    %swap3A_157 = arith.constant 4096 : index
    %swap3A_158 = arith.constant 64 : index
    %swap3A_159 = vector.load %arg2[%swap3A_157, %swap3A_158] : memref<8192x128xf32, #tpu.memory_space<vmem>>, vector<2048x32xf32>
    tpu.vector_store %arg2[%swap3A_157, %swap3A_158], %dot_general3A_156 {strides = array<i32>} : memref<8192x128xf32, #tpu.memory_space<vmem>>, vector<2048x32xf32>,
    %get3A_160 = arith.constant 0 : index
    %get3A_161 = arith.constant 22528 : index
    %get3A_162 = vector.load %arg1[%get3A_160, %get3A_161] : memref<32x32768xf32, #tpu.memory_space<vmem>>, vector<32x2048xf32>
    %mul3A_163 = arith.mulf %get3A_162, %get3A_162 : vector<32x2048xf32>
    %reduce_sum3A_164 = arith.constant dense<0.000000e+00> : vector<2048xf32>
    %reduce_sum3A_165 = vector.multi_reduction <add>, %mul3A_163, %reduce_sum3A_164 [0] : vector<32x2048xf32> to vector<2048xf32>
    %rsqrt3A_166 = math.rsqrt %reduce_sum3A_165 : vector<2048xf32>
    %broadcast_in_dim3A_167 = vector.shape_cast %rsqrt3A_166 : vector<2048xf32> to vector<1x2048xf32>
    %mul3A_168 = vector.broadcast %broadcast_in_dim3A_167 : vector<1x2048xf32> to vector<32x2048xf32>
    %mul3A_169 = arith.mulf %get3A_162, %mul3A_168 : vector<32x2048xf32>
    %dot_general3A_170 = arith.constant dense<0.000000e+00> : vector<2048x32xf32>
    %dot_general3A_171 = tpu.matmul %mul3A_169, %convert_element_type3A_1, %dot_general3A_170 {dimension_numbers = #tpu.dot_dimension_numbers<[0], [0], [1], [1], [0, 1, 1, 1], [], []>, transpose_lhs_hint = false} : vector<32x2048xf32>, vector<32x32xf32>, vector<2048x32xf32> -> vector<2048x32xf32>
    %swap3A_172 = arith.constant 4096 : index
    %swap3A_173 = arith.constant 96 : index
    %swap3A_174 = vector.load %arg2[%swap3A_172, %swap3A_173] : memref<8192x128xf32, #tpu.memory_space<vmem>>, vector<2048x32xf32>
    tpu.vector_store %arg2[%swap3A_172, %swap3A_173], %dot_general3A_171 {strides = array<i32>} : memref<8192x128xf32, #tpu.memory_space<vmem>>, vector<2048x32xf32>,
    %get3A_175 = arith.constant 0 : index
    %get3A_176 = arith.constant 24576 : index
    %get3A_177 = vector.load %arg1[%get3A_175, %get3A_176] : memref<32x32768xf32, #tpu.memory_space<vmem>>, vector<32x2048xf32>
    %mul3A_178 = arith.mulf %get3A_177, %get3A_177 : vector<32x2048xf32>
    %reduce_sum3A_179 = arith.constant dense<0.000000e+00> : vector<2048xf32>
    %reduce_sum3A_180 = vector.multi_reduction <add>, %mul3A_178, %reduce_sum3A_179 [0] : vector<32x2048xf32> to vector<2048xf32>
    %rsqrt3A_181 = math.rsqrt %reduce_sum3A_180 : vector<2048xf32>
    %broadcast_in_dim3A_182 = vector.shape_cast %rsqrt3A_181 : vector<2048xf32> to vector<1x2048xf32>
    %mul3A_183 = vector.broadcast %broadcast_in_dim3A_182 : vector<1x2048xf32> to vector<32x2048xf32>
    %mul3A_184 = arith.mulf %get3A_177, %mul3A_183 : vector<32x2048xf32>
    %dot_general3A_185 = arith.constant dense<0.000000e+00> : vector<2048x32xf32>
    %dot_general3A_186 = tpu.matmul %mul3A_184, %convert_element_type3A_1, %dot_general3A_185 {dimension_numbers = #tpu.dot_dimension_numbers<[0], [0], [1], [1], [0, 1, 1, 1], [], []>, transpose_lhs_hint = false} : vector<32x2048xf32>, vector<32x32xf32>, vector<2048x32xf32> -> vector<2048x32xf32>
    %swap3A_187 = arith.constant 6144 : index
    %swap3A_188 = arith.constant 0 : index
    %swap3A_189 = vector.load %arg2[%swap3A_187, %swap3A_188] : memref<8192x128xf32, #tpu.memory_space<vmem>>, vector<2048x32xf32>
    tpu.vector_store %arg2[%swap3A_187, %swap3A_188], %dot_general3A_186 {strides = array<i32>} : memref<8192x128xf32, #tpu.memory_space<vmem>>, vector<2048x32xf32>,
    %get3A_190 = arith.constant 0 : index
    %get3A_191 = arith.constant 26624 : index
    %get3A_192 = vector.load %arg1[%get3A_190, %get3A_191] : memref<32x32768xf32, #tpu.memory_space<vmem>>, vector<32x2048xf32>
    %mul3A_193 = arith.mulf %get3A_192, %get3A_192 : vector<32x2048xf32>
    %reduce_sum3A_194 = arith.constant dense<0.000000e+00> : vector<2048xf32>
    %reduce_sum3A_195 = vector.multi_reduction <add>, %mul3A_193, %reduce_sum3A_194 [0] : vector<32x2048xf32> to vector<2048xf32>
    %rsqrt3A_196 = math.rsqrt %reduce_sum3A_195 : vector<2048xf32>
    %broadcast_in_dim3A_197 = vector.shape_cast %rsqrt3A_196 : vector<2048xf32> to vector<1x2048xf32>
    %mul3A_198 = vector.broadcast %broadcast_in_dim3A_197 : vector<1x2048xf32> to vector<32x2048xf32>
    %mul3A_199 = arith.mulf %get3A_192, %mul3A_198 : vector<32x2048xf32>
    %dot_general3A_200 = arith.constant dense<0.000000e+00> : vector<2048x32xf32>
    %dot_general3A_201 = tpu.matmul %mul3A_199, %convert_element_type3A_1, %dot_general3A_200 {dimension_numbers = #tpu.dot_dimension_numbers<[0], [0], [1], [1], [0, 1, 1, 1], [], []>, transpose_lhs_hint = false} : vector<32x2048xf32>, vector<32x32xf32>, vector<2048x32xf32> -> vector<2048x32xf32>
    %swap3A_202 = arith.constant 6144 : index
    %swap3A_203 = arith.constant 32 : index
    %swap3A_204 = vector.load %arg2[%swap3A_202, %swap3A_203] : memref<8192x128xf32, #tpu.memory_space<vmem>>, vector<2048x32xf32>
    tpu.vector_store %arg2[%swap3A_202, %swap3A_203], %dot_general3A_201 {strides = array<i32>} : memref<8192x128xf32, #tpu.memory_space<vmem>>, vector<2048x32xf32>,
    %get3A_205 = arith.constant 0 : index
    %get3A_206 = arith.constant 28672 : index
    %get3A_207 = vector.load %arg1[%get3A_205, %get3A_206] : memref<32x32768xf32, #tpu.memory_space<vmem>>, vector<32x2048xf32>
    %mul3A_208 = arith.mulf %get3A_207, %get3A_207 : vector<32x2048xf32>
    %reduce_sum3A_209 = arith.constant dense<0.000000e+00> : vector<2048xf32>
    %reduce_sum3A_210 = vector.multi_reduction <add>, %mul3A_208, %reduce_sum3A_209 [0] : vector<32x2048xf32> to vector<2048xf32>
    %rsqrt3A_211 = math.rsqrt %reduce_sum3A_210 : vector<2048xf32>
    %broadcast_in_dim3A_212 = vector.shape_cast %rsqrt3A_211 : vector<2048xf32> to vector<1x2048xf32>
    %mul3A_213 = vector.broadcast %broadcast_in_dim3A_212 : vector<1x2048xf32> to vector<32x2048xf32>
    %mul3A_214 = arith.mulf %get3A_207, %mul3A_213 : vector<32x2048xf32>
    %dot_general3A_215 = arith.constant dense<0.000000e+00> : vector<2048x32xf32>
    %dot_general3A_216 = tpu.matmul %mul3A_214, %convert_element_type3A_1, %dot_general3A_215 {dimension_numbers = #tpu.dot_dimension_numbers<[0], [0], [1], [1], [0, 1, 1, 1], [], []>, transpose_lhs_hint = false} : vector<32x2048xf32>, vector<32x32xf32>, vector<2048x32xf32> -> vector<2048x32xf32>
    %swap3A_217 = arith.constant 6144 : index
    %swap3A_218 = arith.constant 64 : index
    %swap3A_219 = vector.load %arg2[%swap3A_217, %swap3A_218] : memref<8192x128xf32, #tpu.memory_space<vmem>>, vector<2048x32xf32>
    tpu.vector_store %arg2[%swap3A_217, %swap3A_218], %dot_general3A_216 {strides = array<i32>} : memref<8192x128xf32, #tpu.memory_space<vmem>>, vector<2048x32xf32>,
    %get3A_220 = arith.constant 0 : index
    %get3A_221 = arith.constant 30720 : index
    %get3A_222 = vector.load %arg1[%get3A_220, %get3A_221] : memref<32x32768xf32, #tpu.memory_space<vmem>>, vector<32x2048xf32>
    %mul3A_223 = arith.mulf %get3A_222, %get3A_222 : vector<32x2048xf32>
    %reduce_sum3A_224 = arith.constant dense<0.000000e+00> : vector<2048xf32>
    %reduce_sum3A_225 = vector.multi_reduction <add>, %mul3A_223, %reduce_sum3A_224 [0] : vector<32x2048xf32> to vector<2048xf32>
    %rsqrt3A_226 = math.rsqrt %reduce_sum3A_225 : vector<2048xf32>
    %broadcast_in_dim3A_227 = vector.shape_cast %rsqrt3A_226 : vector<2048xf32> to vector<1x2048xf32>
    %mul3A_228 = vector.broadcast %broadcast_in_dim3A_227 : vector<1x2048xf32> to vector<32x2048xf32>
    %mul3A_229 = arith.mulf %get3A_222, %mul3A_228 : vector<32x2048xf32>
    %dot_general3A_230 = arith.constant dense<0.000000e+00> : vector<2048x32xf32>
    %dot_general3A_231 = tpu.matmul %mul3A_229, %convert_element_type3A_1, %dot_general3A_230 {dimension_numbers = #tpu.dot_dimension_numbers<[0], [0], [1], [1], [0, 1, 1, 1], [], []>, transpose_lhs_hint = false} : vector<32x2048xf32>, vector<32x32xf32>, vector<2048x32xf32> -> vector<2048x32xf32>
    %swap3A_232 = arith.constant 6144 : index
    %swap3A_233 = arith.constant 96 : index
    %swap3A_234 = vector.load %arg2[%swap3A_232, %swap3A_233] : memref<8192x128xf32, #tpu.memory_space<vmem>>, vector<2048x32xf32>
    tpu.vector_store %arg2[%swap3A_232, %swap3A_233], %dot_general3A_231 {strides = array<i32>} : memref<8192x128xf32, #tpu.memory_space<vmem>>, vector<2048x32xf32>,
    return
  }
  func.func @transform_0(%arg0: i32) -> (i32, i32) {
    %c0_i32 = arith.constant 0 : i32
    %c0_i32_0 = arith.constant 0 : i32
    return %c0_i32, %arg0 : i32, i32
  }
  func.func @transform_1(%arg0: i32) -> (i32, i32) {
    %c0_i32 = arith.constant 0 : i32
    %c0_i32_0 = arith.constant 0 : i32
    return %arg0, %c0_i32 : i32, i32
  }
}

</mosaic_0001>

<sc_bundles>
// kernel: kernel.4.cloned.1.call-start
scs
__scs_entry_jumppad:
0x0: {  	(pc) =	sbr.rel $0x88, $3  }
0x1: {  	(tag) =	ssettag $0x0;
	lr =	simm.s32 $0x1  }
0x2: {  	[smem:$0x3F9F] =	sst lr;
	_ =	strace $0xD0000000  }
0x3: {  	_ = 	snop  }
0x4: {  	_ = 	snop  }
0x5: {  	_ = 	snop  }
0x6: {  	_ = 	snop  }
0x7: {  	_ = 	snop  }
__scs_overlays_trampoline_lowered:
0x8: {  	[smem:$0x3FAE] =	sst s0  }
0x9: {  	[smem:$0x3FAF] =	sst s1  }
0xa: {  	[smem:$0x3FB0] =	sst s2  }
0xb: {  	[smem:$0x3FB1] =	sst s3  }
0xc: {  	[smem:$0x3FB2] =	sst s4  }
0xd: {  	[smem:$0x3FB3] =	sst s5  }
0xe: {  	[smem:$0x3FB4] =	sst s6  }
0xf: {  	[smem:$0x3FB5] =	sst s7  }
0x10: {  	[smem:$0x3FB6] =	sst s8  }
0x11: {  	[smem:$0x3FB7] =	sst s9;
	s0 =	simm.s32 @!p0 $0x0  }
0x12: {  	s1 =	sld [smem:$0x3F9D];
	s0 =	simm.s32 @p0 $0x1  }
0x13: {  	[smem:$0x3FB8] =	sst s0;
	s0 =	simm.s32 @!p1 $0x0  }
0x14: {  	s2 =	sld [smem:$0x3F9C];
	s0 =	simm.s32 @p1 $0x1  }
0x15: {  	[smem:$0x3FB9] =	sst s0;
	s0 =	simm.s32 @!p2 $0x0  }
0x16: {  	s3 =	sld [smem:$0x3FDB];
	s0 =	simm.s32 @p2 $0x1  }
0x17: {  	s4 =	simm.s32 $0x1BF5;
	[smem:$0x3FBB] =	sst s0  }
0x18: {  	s0 =	sld [smem:$0x3F9E];
	_ =	swait.ge [sflag:s4], $0x0  }
0x19: {  	s7 =	sld [smem:$0x3F9F]  }
0x1a: {  	s8 =	sadd.s32 $0xFFFFE003, lr  }
0x1b: {  	s9 =	sadd.s32 $0xFFFFFEF7, lr;
	s5 =	simm.s32 $0xFFFFFFFF;
	p2 =	slt.u32 s8, $0xFFFFF086  }
0x1c: {  	p1 =	slt.u32 s9, $0xF7A;
	s5 =	simm.s32 @!p2 $0x0  }
0x1d: {  	s5 =	simm.s32 @p1 $0x1;
	p0 =	seq.s32 s7, s2  }
0x1e: {  	s7 =	smul.u32 @!p0 $0xF7A, s2;
	p2 =	seq.s32 @!p0 s5, $0x0  }
0x1f: {  	s9 =	smul.u32 $0xF7A, s1;
	s8 =	simm.s32 @!p0 $0x1BF5;
	p2 =	por !p2, p0  }
0x20: {  	[sflag:s8] =	ssyncset.s32 @!p0 $0xFFFFF086;
	s6 =	sadd.s32 @!p0 s3, s7;
	s7 =	simm.s32 @!p0 $0x108  }
0x21: {  	s3 =	sadd.s32 s3, s9;
	s6 =	sadd.s32 @!p0 $0x88, s6;
	s7 =	simm.s32 @p2 $0x1082  }
0x22: {  	[simem:s7], [sflag:s8] =	dma.local @!p0 [hbm:s6], $0xF7A  }
0x23: {  	s9 =	sor.u32 $0xD0000000, s2;
	s6 =	simm.s32 $0x108;
	_ =	swait.ge @!p0 [sflag:s8], $0x0  }
0x24: {  	s3 =	sadd.s32 $0x88, s3;
	s6 =	simm.s32 @!p1 $0x1082;
	[sflag:s4] =	ssyncset.s32 $0xFFFFF086  }
0x25: {  	[simem:s6], [sflag:s4] =	dma.local [hbm:s3], $0xF7A  }
0x26: {  	[smem:$0x3F9F] =	sst s1;
	(tag) =	ssettag s2;
	_ =	strace s9  }
0x27: {  	s1 =	sld [smem:$0x3FAF]  }
0x28: {  	s2 =	sld [smem:$0x3FB0]  }
0x29: {  	s4 =	sld [smem:$0x3FB2]  }
0x2a: {  	p0 =	seq.s32 s5, $0x0;
	s5 =	sld [smem:$0x3FB3]  }
0x2b: {  	s6 =	sld [smem:$0x3FB4]  }
0x2c: {  	s7 =	sld [smem:$0x3FB5]  }
0x2d: {  	s3 =	simm.s32 $0x108;
	s8 =	sld [smem:$0x3FB6]  }
0x2e: {  	s3 =	simm.s32 @!p0 $0x1082;
	s9 =	sld [smem:$0x3FB7]  }
0x2f: {  	lr =	sadd.s32 s0, s3;
	s0 =	sld [smem:$0x3FAE]  }
0x30: {  	s3 =	sld [smem:$0x3FB1]  }
0x31: {  	[smem:$0x3FBA] =	sst s10  }
0x32: {  	s10 =	sld [smem:$0x3FB8];
	_ =	sdelay $0x3  }
0x33: {  	p0 =	seq.s32 s10, $0x1;
	s10 =	sld [smem:$0x3FBA];
	_ =	sdelay $0x3  }
0x34: {  	[smem:$0x3FBA] =	sst s10  }
0x35: {  	s10 =	sld [smem:$0x3FB9];
	_ =	sdelay $0x3  }
0x36: {  	p1 =	seq.s32 s10, $0x1;
	s10 =	sld [smem:$0x3FBA];
	_ =	sdelay $0x3  }
0x37: {  	[smem:$0x3FBA] =	sst s10  }
0x38: {  	s10 =	sld [smem:$0x3FBB]  }
0x39: {  	_ = 	snop;
	(pc) =	sbr.ind lr, $3  }
0x3a: {  	_ = 	snop  }
0x3b: {  	_ = 	snop  }
0x3c: {  	p2 =	seq.s32 s10, $0x1;
	s10 =	sld [smem:$0x3FBA]  }
0x3d: {  	_ =	shalt  }
0x3e: {  	_ =	shalt  }
0x3f: {  	_ =	shalt  }
0x40: {  	_ =	shalt  }
0x41: {  	_ =	shalt  }
0x42: {  	_ =	shalt  }
0x43: {  	_ =	shalt  }
0x44: {  	_ =	shalt  }
0x45: {  	_ =	shalt  }
0x46: {  	_ =	shalt  }
0x47: {  	_ =	shalt  }
0x48: {  	_ =	shalt  }
0x49: {  	_ =	shalt  }
0x4a: {  	_ =	shalt  }
0x4b: {  	_ =	shalt  }
0x4c: {  	_ =	shalt  }
0x4d: {  	_ =	shalt  }
0x4e: {  	_ =	shalt  }
0x4f: {  	_ =	shalt  }
0x50: {  	_ =	shalt  }
0x51: {  	_ =	shalt  }
0x52: {  	_ =	shalt  }
0x53: {  	_ =	shalt  }
0x54: {  	_ =	shalt  }
0x55: {  	_ =	shalt  }
0x56: {  	_ =	shalt  }
0x57: {  	_ =	shalt  }
0x58: {  	_ =	shalt  }
0x59: {  	_ =	shalt  }
0x5a: {  	_ =	shalt  }
0x5b: {  	_ =	shalt  }
0x5c: {  	_ =	shalt  }
0x5d: {  	_ =	shalt  }
0x5e: {  	_ =	shalt  }
0x5f: {  	_ =	shalt  }
0x60: {  	_ =	shalt  }
0x61: {  	_ =	shalt  }
0x62: {  	_ =	shalt  }
0x63: {  	_ =	shalt  }
0x64: {  	_ =	shalt  }
0x65: {  	_ =	shalt  }
0x66: {  	_ =	shalt  }
0x67: {  	_ =	shalt  }
0x68: {  	_ =	shalt  }
0x69: {  	_ =	shalt  }
0x6a: {  	_ =	shalt  }
0x6b: {  	_ =	shalt  }
0x6c: {  	_ =	shalt  }
0x6d: {  	_ =	shalt  }
0x6e: {  	_ =	shalt  }
0x6f: {  	_ =	shalt  }
0x70: {  	_ =	shalt  }
0x71: {  	_ =	shalt  }
0x72: {  	_ =	shalt  }
0x73: {  	_ =	shalt  }
0x74: {  	_ =	shalt  }
0x75: {  	_ =	shalt  }
0x76: {  	_ =	shalt  }
0x77: {  	_ =	shalt  }
0x78: {  	_ =	shalt  }
0x79: {  	_ =	shalt  }
0x7a: {  	_ =	shalt  }
0x7b: {  	_ =	shalt  }
0x7c: {  	_ =	shalt  }
0x7d: {  	_ =	shalt  }
0x7e: {  	_ =	shalt  }
0x7f: {  	_ =	shalt  }
0x80: {  	_ =	shalt  }
0x81: {  	_ =	shalt  }
0x82: {  	_ =	shalt  }
0x83: {  	_ =	shalt  }
0x84: {  	_ =	shalt  }
0x85: {  	_ =	shalt  }
0x86: {  	_ =	shalt  }
0x87: {  	_ =	shalt  }
.Lfunc_end0:
.L_simem_size_0:
called_computation.1_lowered:
.L_overlay_start_0:
0x88: {  	s2 =	sld [smem:$0x3FD9]  }
0x89: {  	s3 =	sld [smem:$0x3FFE];
	_ =	sdelay $0x1  }
0x8a: {  	s1 =	srdreg.scid  }
0x8b: {  	s0 =	sand.u32 $0x1, s1  }
0x8c: {  	s17 =	sshll.u32 s0, $0xA;
	s2 =	sadd.s32 s3, s2  }
0x8d: {  	s2 =	sadd.s32 s2, s17  }
0x8e: {  	[smem:$0x3FC6] =	sst s2  }
0x8f: {  	_ = 	snop  }
0x90: {  	s2 =	sld [smem:$0x3FD0];
	(tm) =	ssettm $0x1  }
0x91: {  	s18 =	sld [smem:$0x3FFB];
	_ =	sdelay $0x3  }
0x92: {  	_ =	strace s18  }
0x93: {  	s3 =	sld [smem:$0x3FFC];
	_ =	sdelay $0x3  }
0x94: {  	_ =	strace s3  }
0x95: {  	s3 =	sld [smem:$0x3FFD];
	_ =	sdelay $0x3  }
0x96: {  	_ =	strace s3  }
0x97: {  	_ =	strace $0x8FFFFFFF  }
0x98: {  	s19 =	sld [smem:$0x3FDB];
	_ =	sdelay $0x1  }
0x99: {  	s4 =	simm.s32 $_scs_section_size  }
0x9a: {  	s5 =	simm.s32 $_size__tile_overlayer_lowered;
	s6 =	simm.s32 $_tile_overlayer_lowered  }
0x9b: {  	s22 =	simm.s32 $0x1BFF;
	s21 =	sshll.u32 s6, $0x1;
	s3 =	sadd.s32 s4, s19  }
0x9c: {  	s7 =	simm.s32 $0x0;
	s20 =	sshll.u32 s5, $0x1;
	s5 =	sadd.s32 s21, s3  }
0x9d: {  	[timem:s7], [sflag:s22] =	dma.local [hbm:s5], s20  }
0x9e: {  	_ =	swait.ge [sflag:s22], s20  }
0x9f: {  	s4 =	ssub.s32 $0x0, s20;
	[sflag:s22] =	ssyncset.done $0x0  }
0xa0: {  	[sflag:s22] =	ssyncadd.s32 s4;
	_ =	sdelay $0x1  }
0xa1: {  	s23 =	simm.s32 $0x1B8B  }
0xa2: {  	_ =	swait.ge [sflag:s23], $0x1  }
0xa3: {  	[sflag:s23] =	ssyncset.done $0x0  }
0xa4: {  	s25 =	simm.s32 $0x1B8E;
	s24 =	sld [smem:$0x3FFE];
	[sflag:s23] =	ssyncadd.s32 $0xFFFFFFFF  }
0xa5: {  	s26 =	simm.s32 $execute0_lowered;
	[smem:$0x3FD2] =	sst s25  }
0xa6: {  	s5 =	sshll.u32 s26, $0x1;
	_ =	strace $0x80000046;
	[dreg:$0x1] =	wrdreg $0xFFFFFFFF  }
0xa7: {  	s28 =	simm.s32 $_size_execute0_lowered;
	s3 =	sadd.s32 s3, s5;
	[dreg:$0x0] =	wrdreg $0x0  }
0xa8: {  	s5 =	sshll.u32 s28, $0x1;
	[dreg:$0x2] =	wrdreg s3  }
0xa9: {  	[dreg:$0x3] =	wrdreg s5  }
0xaa: {  	[dreg:$0x4] =	wrdreg $0xC0  }
0xab: {  	_ =	task [dreg:s7], $0x5FFFF  }
0xac: {  	[dreg:$0x1] =	wrdreg $0xFFFFFFFF  }
0xad: {  	[dreg:$0x0] =	wrdreg $0x60  }
0xae: {  	[dreg:$0x2] =	wrdreg s24  }
0xaf: {  	[dreg:$0x3] =	wrdreg s2  }
0xb0: {  	[dreg:$0x4] =	wrdreg $0x9  }
0xb1: {  	_ =	task.clear_ibuf [dreg:s7], $0x5FFFF;
	_ =	strace $0x90000046  }
0xb2: {  	s29 =	simm.s32 $0x9;
	_ =	strace $0x80000048  }
0xb3: {  	_ =	swait.ge [sflag:s29], $0x1  }
0xb4: {  	[sflag:s29] =	ssyncadd.s32 $0xFFFFFFFF  }
0xb5: {  	_ =	strace $0x90000048  }
0xb6: {  	_ =	sfence  }
0xb7: {  	s30 =	sld [smem:$0x0];
	_ =	sdelay $0x2  }
0xb8: {  	s31 =	sshll.u32 s1, $0xD;
	s1 =	sshrl.u32 s1, $0x2  }
0xb9: {  	s3 =	sand.u32 $0x4000, s31;
	s1 =	sadd.s32 s1, s30  }
0xba: {  	s0 =	sor.u32 s3, s0;
	s1 =	sshll.u32 s1, $0x11  }
0xbb: {  	s0 =	sor.u32 s1, s0  }
0xbc: {  	s0 =	sadd.s32 $0x8F2B, s0  }
0xbd: {  	[sflag:s0] =	ssyncadd.remote.s32 $0x1  }
0xbe: {  	_ =	sfence.sel $0xFFFF  }
0xbf: {  	[dreg:$0x0] =	wrdreg $0xFFFFFFFF;
	(pc) =	sbr.abs _section_cstart, $3  }
0xc0: {  	[dreg:$0x1] =	wrdreg $0xFFFFFFFF  }
0xc1: {  	_ =	task.clear_ibuf [dreg:s7], $0x2FFFF;
	_ =	strace $0x9FFFFFFF  }
0xc2: {  	(tm) =	ssettm $0x7FFFFFFF  }
0xc3: {  	_ =	shalt  }
tec
execute0_lowered:
.L_overlay_start_1:
0x0: {  	(tag) =	ssettag $0x1  }
0x1: {  	s1 =	srdreg.scid;
	s0 =	stileid.u32  }
0x2: {  	s1 =	sand.u32 $0x1, s1;
	s2 =	sshll.u32 s0, $0x1  }
0x3: {  	s3 =	sor.u32 s1, s2  }
0x4: {  	s4 =	rddreg [dreg:$0x0];
	s6 =	smul.u32 $0x680, s3  }
0x5: {  	s5 =	rddreg [dreg:$0x1];
	s2 =	simm.s32 $0x0;
	s7 =	smul.u32 $0xD000, s3  }
0x6: {  	[smem:$0x7FF] =	sst s2;
	s3 =	smul.u32 $0x68000, s3  }
0x7: {  	_ =	strace $0x80000047;
	s6 =	sadd.s32 s6, s4;
	s24 =	sadd.s32 s5, s7  }
0x8: {  	s3 =	sshrl.u32 s3, $0x3;
	s6 =	sadd.s32 $0x800, s6;
	[dreg:$0x4] =	wrdreg s24  }
0x9: {  	s31 =	sadd.s32 s5, s3;
	[dreg:$0x3] =	wrdreg s6  }
0xa: {  	s3 =	sadd.s32 $0x1000, s31;
	s25 =	rddreg [dreg:$0x3]  }
0xb: {  	s26 =	sadd.s32 $0x2000, s31;
	[dreg:$0x5] =	wrdreg s3  }
0xc: {  	[dreg:$0x6] =	wrdreg s26;
	s3 =	simm.s32 $0x3  }
0xd: {  	[tilespmem:s2], [sflag:$0x3] =	stream.linear.gather [hbm4b:s25+s2], $0x3400, $0x38;
	[tilespmem:$0x13400] =	vst v63  }
0xe: {  	_ =	swait.ge [sflag:s3], $0x3400  }
0xf: {  	s4 =	sadd.s32 $0xD800, s4;
	[sflag:s3] =	ssyncset.done $0x0  }
0x10: {  	s5 =	simm.s32 $0x400;
	s6 =	simm.s32 $0x3400;
	[sflag:s3] =	ssyncadd.s32 $0xFFFFCC00  }
0x11: {  	[tilespmem:s6], [sflag:$0x1] =	stream.indirect.gather [hbm4b:s4+s5], $0x20, s2, s5, $0xb8;
	[tilespmem:$0x13400] =	vst v63  }
0x12: {  	s8 =	simm.s32 $0x1;
	s7 =	simm.s32 $0xB400  }
0x13: {  	[tilespmem:s7], [sflag:$0x2] =	stream.indirect.gather [hbm4b:s4+s5], $0x20, s5, s5, $0xb8;
	[tilespmem:$0x13400] =	vst v63  }
0x14: {  	_ =	swait.ge [sflag:s8], $0x8000  }
0x15: {  	[sflag:s8] =	ssyncset.done $0x0  }
0x16: {  	s9 =	rddreg [dreg:$0x4];
	[sflag:s8] =	ssyncadd.s32 $0xFFFF8000  }
0x17: {  	[hbm4b:s9+s2] =	stream.linear.scatter [tilespmem:s6], [sflag:$0x3], $0x8000, $0x38;
	[tilespmem:$0x13400] =	vst v63  }
0x18: {  	_ =	swait.ge [sflag:s3], $0x8000  }
0x19: {  	[sflag:s3] =	ssyncset.done $0x0  }
0x1a: {  	s10 =	simm.s32 $0x2;
	s9 =	simm.s32 $0x800;
	[sflag:s3] =	ssyncadd.s32 $0xFFFF8000  }
0x1b: {  	[tilespmem:s6], [sflag:$0x1] =	stream.indirect.gather [hbm4b:s4+s5], $0x20, s9, s5, $0xb8;
	[tilespmem:$0x13400] =	vst v63  }
0x1c: {  	_ =	swait.ge [sflag:s10], $0x8000  }
0x1d: {  	[sflag:s10] =	ssyncset.done $0x0  }
0x1e: {  	s11 =	rddreg [dreg:$0x5];
	[sflag:s10] =	ssyncadd.s32 $0xFFFF8000  }
0x1f: {  	[hbm4b:s11+s2] =	stream.linear.scatter [tilespmem:s7], [sflag:$0x3], $0x8000, $0x38;
	[tilespmem:$0x13400] =	vst v63  }
0x20: {  	_ =	swait.ge [sflag:s3], $0x8000  }
0x21: {  	[sflag:s3] =	ssyncset.done $0x0  }
0x22: {  	s11 =	simm.s32 $0xC00;
	[sflag:s3] =	ssyncadd.s32 $0xFFFF8000  }
0x23: {  	[tilespmem:s7], [sflag:$0x2] =	stream.indirect.gather [hbm4b:s4+s5], $0x20, s11, s5, $0xb8;
	[tilespmem:$0x13400] =	vst v63  }
0x24: {  	_ =	swait.ge [sflag:s8], $0x8000  }
0x25: {  	[sflag:s8] =	ssyncset.done $0x0  }
0x26: {  	s12 =	rddreg [dreg:$0x6];
	[sflag:s8] =	ssyncadd.s32 $0xFFFF8000  }
0x27: {  	[hbm4b:s12+s2] =	stream.linear.scatter [tilespmem:s6], [sflag:$0x3], $0x8000, $0x38;
	[tilespmem:$0x13400] =	vst v63  }
0x28: {  	_ =	swait.ge [sflag:s3], $0x8000  }
0x29: {  	[sflag:s3] =	ssyncset.done $0x0  }
0x2a: {  	s12 =	simm.s32 $0x1000;
	[sflag:s3] =	ssyncadd.s32 $0xFFFF8000  }
0x2b: {  	[tilespmem:s6], [sflag:$0x1] =	stream.indirect.gather [hbm4b:s4+s5], $0x20, s12, s5, $0xb8;
	[tilespmem:$0x13400] =	vst v63  }
0x2c: {  	_ =	swait.ge [sflag:s10], $0x8000  }
0x2d: {  	[sflag:s10] =	ssyncset.done $0x0  }
0x2e: {  	s13 =	sadd.s32 $0x3000, s31;
	[sflag:s10] =	ssyncadd.s32 $0xFFFF8000  }
0x2f: {  	[hbm4b:s13+s2] =	stream.linear.scatter [tilespmem:s7], [sflag:$0x3], $0x8000, $0x38;
	[tilespmem:$0x13400] =	vst v63  }
0x30: {  	_ =	swait.ge [sflag:s3], $0x8000  }
0x31: {  	[sflag:s3] =	ssyncset.done $0x0  }
0x32: {  	s14 =	simm.s32 $0x1400;
	[sflag:s3] =	ssyncadd.s32 $0xFFFF8000  }
0x33: {  	[tilespmem:s7], [sflag:$0x2] =	stream.indirect.gather [hbm4b:s4+s5], $0x20, s14, s5, $0xb8;
	[tilespmem:$0x13400] =	vst v63  }
0x34: {  	_ =	swait.ge [sflag:s8], $0x8000  }
0x35: {  	[sflag:s8] =	ssyncset.done $0x0  }
0x36: {  	s15 =	sadd.s32 $0x4000, s31;
	[sflag:s8] =	ssyncadd.s32 $0xFFFF8000  }
0x37: {  	[hbm4b:s15+s2] =	stream.linear.scatter [tilespmem:s6], [sflag:$0x3], $0x8000, $0x38;
	[tilespmem:$0x13400] =	vst v63  }
0x38: {  	_ =	swait.ge [sflag:s3], $0x8000  }
0x39: {  	[sflag:s3] =	ssyncset.done $0x0  }
0x3a: {  	s16 =	simm.s32 $0x1800;
	[sflag:s3] =	ssyncadd.s32 $0xFFFF8000  }
0x3b: {  	[tilespmem:s6], [sflag:$0x1] =	stream.indirect.gather [hbm4b:s4+s5], $0x20, s16, s5, $0xb8;
	[tilespmem:$0x13400] =	vst v63  }
0x3c: {  	_ =	swait.ge [sflag:s10], $0x8000  }
0x3d: {  	[sflag:s10] =	ssyncset.done $0x0  }
0x3e: {  	s17 =	sadd.s32 $0x5000, s31;
	[sflag:s10] =	ssyncadd.s32 $0xFFFF8000  }
0x3f: {  	[hbm4b:s17+s2] =	stream.linear.scatter [tilespmem:s7], [sflag:$0x3], $0x8000, $0x38;
	[tilespmem:$0x13400] =	vst v63  }
0x40: {  	_ =	swait.ge [sflag:s3], $0x8000  }
0x41: {  	[sflag:s3] =	ssyncset.done $0x0  }
0x42: {  	s18 =	simm.s32 $0x1C00;
	[sflag:s3] =	ssyncadd.s32 $0xFFFF8000  }
0x43: {  	[tilespmem:s7], [sflag:$0x2] =	stream.indirect.gather [hbm4b:s4+s5], $0x20, s18, s5, $0xb8;
	[tilespmem:$0x13400] =	vst v63  }
0x44: {  	_ =	swait.ge [sflag:s8], $0x8000  }
0x45: {  	[sflag:s8] =	ssyncset.done $0x0  }
0x46: {  	s19 =	sadd.s32 $0x6000, s31;
	[sflag:s8] =	ssyncadd.s32 $0xFFFF8000  }
0x47: {  	[hbm4b:s19+s2] =	stream.linear.scatter [tilespmem:s6], [sflag:$0x3], $0x8000, $0x38;
	[tilespmem:$0x13400] =	vst v63  }
0x48: {  	_ =	swait.ge [sflag:s3], $0x8000  }
0x49: {  	[sflag:s3] =	ssyncset.done $0x0  }
0x4a: {  	s20 =	simm.s32 $0x2000;
	[sflag:s3] =	ssyncadd.s32 $0xFFFF8000  }
0x4b: {  	[tilespmem:s6], [sflag:$0x1] =	stream.indirect.gather [hbm4b:s4+s5], $0x20, s20, s5, $0xb8;
	[tilespmem:$0x13400] =	vst v63  }
0x4c: {  	_ =	swait.ge [sflag:s10], $0x8000  }
0x4d: {  	[sflag:s10] =	ssyncset.done $0x0  }
0x4e: {  	s21 =	sadd.s32 $0x7000, s31;
	[sflag:s10] =	ssyncadd.s32 $0xFFFF8000  }
0x4f: {  	[hbm4b:s21+s2] =	stream.linear.scatter [tilespmem:s7], [sflag:$0x3], $0x8000, $0x38;
	[tilespmem:$0x13400] =	vst v63  }
0x50: {  	_ =	swait.ge [sflag:s3], $0x8000  }
0x51: {  	[sflag:s3] =	ssyncset.done $0x0  }
0x52: {  	s22 =	simm.s32 $0x2400;
	[sflag:s3] =	ssyncadd.s32 $0xFFFF8000  }
0x53: {  	[tilespmem:s7], [sflag:$0x2] =	stream.indirect.gather [hbm4b:s4+s5], $0x20, s22, s5, $0xb8;
	[tilespmem:$0x13400] =	vst v63  }
0x54: {  	_ =	swait.ge [sflag:s8], $0x8000  }
0x55: {  	[sflag:s8] =	ssyncset.done $0x0  }
0x56: {  	s23 =	sadd.s32 $0x8000, s31;
	[sflag:s8] =	ssyncadd.s32 $0xFFFF8000  }
0x57: {  	[hbm4b:s23+s2] =	stream.linear.scatter [tilespmem:s6], [sflag:$0x3], $0x8000, $0x38;
	[tilespmem:$0x13400] =	vst v63  }
0x58: {  	_ =	swait.ge [sflag:s3], $0x8000  }
0x59: {  	[sflag:s3] =	ssyncset.done $0x0  }
0x5a: {  	s24 =	simm.s32 $0x2800;
	[sflag:s3] =	ssyncadd.s32 $0xFFFF8000  }
0x5b: {  	[tilespmem:s6], [sflag:$0x1] =	stream.indirect.gather [hbm4b:s4+s5], $0x20, s24, s5, $0xb8;
	[tilespmem:$0x13400] =	vst v63  }
0x5c: {  	_ =	swait.ge [sflag:s10], $0x8000  }
0x5d: {  	[sflag:s10] =	ssyncset.done $0x0  }
0x5e: {  	s25 =	sadd.s32 $0x9000, s31;
	[sflag:s10] =	ssyncadd.s32 $0xFFFF8000  }
0x5f: {  	[hbm4b:s25+s2] =	stream.linear.scatter [tilespmem:s7], [sflag:$0x3], $0x8000, $0x38;
	[tilespmem:$0x13400] =	vst v63  }
0x60: {  	_ =	swait.ge [sflag:s3], $0x8000  }
0x61: {  	[sflag:s3] =	ssyncset.done $0x0  }
0x62: {  	s26 =	simm.s32 $0x2C00;
	[sflag:s3] =	ssyncadd.s32 $0xFFFF8000  }
0x63: {  	[tilespmem:s7], [sflag:$0x2] =	stream.indirect.gather [hbm4b:s4+s5], $0x20, s26, s5, $0xb8;
	[tilespmem:$0x13400] =	vst v63  }
0x64: {  	_ =	swait.ge [sflag:s8], $0x8000  }
0x65: {  	[sflag:s8] =	ssyncset.done $0x0  }
0x66: {  	s28 =	sadd.s32 $0xA000, s31;
	[sflag:s8] =	ssyncadd.s32 $0xFFFF8000  }
0x67: {  	[hbm4b:s28+s2] =	stream.linear.scatter [tilespmem:s6], [sflag:$0x3], $0x8000, $0x38;
	[tilespmem:$0x13400] =	vst v63  }
0x68: {  	_ =	swait.ge [sflag:s3], $0x8000  }
0x69: {  	[sflag:s3] =	ssyncset.done $0x0  }
0x6a: {  	s29 =	simm.s32 $0x3000;
	[sflag:s3] =	ssyncadd.s32 $0xFFFF8000  }
0x6b: {  	[tilespmem:s6], [sflag:$0x1] =	stream.indirect.gather [hbm4b:s4+s5], $0x20, s29, s5, $0xb8;
	[tilespmem:$0x13400] =	vst v63  }
0x6c: {  	_ =	swait.ge [sflag:s10], $0x8000  }
0x6d: {  	s1 =	ssub.s32 $0x2, s1;
	[sflag:s10] =	ssyncset.done $0x0  }
0x6e: {  	s0 =	sshrl.u32 s1, $0x1;
	s30 =	sadd.s32 $0xB000, s31;
	[sflag:s10] =	ssyncadd.s32 $0xFFFF8000  }
0x6f: {  	[hbm4b:s30+s2] =	stream.linear.scatter [tilespmem:s7], [sflag:$0x3], $0x8000, $0x38;
	[tilespmem:$0x13400] =	vst v63  }
0x70: {  	s0 =	ssub.s32 s1, s0;
	_ =	swait.ge [sflag:s3], $0x8000  }
0x71: {  	s0 =	smax.u32 s0, $0x1;
	[sflag:s3] =	ssyncset.done $0x0  }
0x72: {  	p0 =	sne.s32 s0, $0x1;
	[sflag:s3] =	ssyncadd.s32 $0xFFFF8000  }
.Ltmp0:
0x73: {  	_ =	swait.ge [sflag:s8], $0x8000;
	(pc) =	sbr.rel @!p0 .LBB2_2-.Ltmp0, $4  }
0x74: {  	[sflag:s8] =	ssyncset.done $0x0  }
0x75: {  	s31 =	sadd.s32 $0xC000, s31;
	[sflag:s8] =	ssyncadd.s32 $0xFFFF8000  }
0x76: {  	[hbm4b:s31+s2] =	stream.linear.scatter [tilespmem:s6], [sflag:$0x3], $0x8000, $0x38;
	[tilespmem:$0x13400] =	vst v63  }
0x77: {  	s1 =	sadd.s32 $0xFFFFFFFF, s0;
	_ =	swait.ge [sflag:s3], $0x8000  }
.LBB2_1:
0x78: {  	[sflag:s3] =	ssyncset.done $0x0  }
0x79: {  	s0 =	rddreg [dreg:$0x3];
	[sflag:s3] =	ssyncadd.s32 $0xFFFF8000  }
0x7a: {  	[tilespmem:s2], [sflag:$0x3] =	stream.linear.gather [hbm4b:s0+s2], $0x3400, $0x38;
	[tilespmem:$0x13400] =	vst v63  }
0x7b: {  	_ =	swait.ge [sflag:s3], $0x3400  }
0x7c: {  	[sflag:s3] =	ssyncset.done $0x0  }
0x7d: {  	[sflag:s3] =	ssyncadd.s32 $0xFFFFCC00  }
0x7e: {  	[tilespmem:s6], [sflag:$0x1] =	stream.indirect.gather [hbm4b:s4+s5], $0x20, s2, s5, $0xb8;
	[tilespmem:$0x13400] =	vst v63  }
0x7f: {  	_ = 	snop  }
0x80: {  	[tilespmem:s7], [sflag:$0x2] =	stream.indirect.gather [hbm4b:s4+s5], $0x20, s5, s5, $0xb8;
	[tilespmem:$0x13400] =	vst v63  }
0x81: {  	_ =	swait.ge [sflag:s8], $0x8000  }
0x82: {  	[sflag:s8] =	ssyncset.done $0x0  }
0x83: {  	s0 =	rddreg [dreg:$0x4];
	[sflag:s8] =	ssyncadd.s32 $0xFFFF8000  }
0x84: {  	[hbm4b:s0+s2] =	stream.linear.scatter [tilespmem:s6], [sflag:$0x3], $0x8000, $0x38;
	[tilespmem:$0x13400] =	vst v63  }
0x85: {  	_ =	swait.ge [sflag:s3], $0x8000  }
0x86: {  	[sflag:s3] =	ssyncset.done $0x0  }
0x87: {  	[sflag:s3] =	ssyncadd.s32 $0xFFFF8000  }
0x88: {  	[tilespmem:s6], [sflag:$0x1] =	stream.indirect.gather [hbm4b:s4+s5], $0x20, s9, s5, $0xb8;
	[tilespmem:$0x13400] =	vst v63  }
0x89: {  	_ =	swait.ge [sflag:s10], $0x8000  }
0x8a: {  	[sflag:s10] =	ssyncset.done $0x0  }
0x8b: {  	s0 =	rddreg [dreg:$0x5];
	[sflag:s10] =	ssyncadd.s32 $0xFFFF8000  }
0x8c: {  	[hbm4b:s0+s2] =	stream.linear.scatter [tilespmem:s7], [sflag:$0x3], $0x8000, $0x38;
	[tilespmem:$0x13400] =	vst v63  }
0x8d: {  	_ =	swait.ge [sflag:s3], $0x8000  }
0x8e: {  	[sflag:s3] =	ssyncset.done $0x0  }
0x8f: {  	[sflag:s3] =	ssyncadd.s32 $0xFFFF8000  }
0x90: {  	[tilespmem:s7], [sflag:$0x2] =	stream.indirect.gather [hbm4b:s4+s5], $0x20, s11, s5, $0xb8;
	[tilespmem:$0x13400] =	vst v63  }
0x91: {  	_ =	swait.ge [sflag:s8], $0x8000  }
0x92: {  	[sflag:s8] =	ssyncset.done $0x0  }
0x93: {  	s0 =	rddreg [dreg:$0x6];
	[sflag:s8] =	ssyncadd.s32 $0xFFFF8000  }
0x94: {  	[hbm4b:s0+s2] =	stream.linear.scatter [tilespmem:s6], [sflag:$0x3], $0x8000, $0x38;
	[tilespmem:$0x13400] =	vst v63  }
0x95: {  	_ =	swait.ge [sflag:s3], $0x8000  }
0x96: {  	[sflag:s3] =	ssyncset.done $0x0  }
0x97: {  	[sflag:s3] =	ssyncadd.s32 $0xFFFF8000  }
0x98: {  	[tilespmem:s6], [sflag:$0x1] =	stream.indirect.gather [hbm4b:s4+s5], $0x20, s12, s5, $0xb8;
	[tilespmem:$0x13400] =	vst v63  }
0x99: {  	_ =	swait.ge [sflag:s10], $0x8000  }
0x9a: {  	[sflag:s10] =	ssyncset.done $0x0  }
0x9b: {  	[sflag:s10] =	ssyncadd.s32 $0xFFFF8000  }
0x9c: {  	[hbm4b:s13+s2] =	stream.linear.scatter [tilespmem:s7], [sflag:$0x3], $0x8000, $0x38;
	[tilespmem:$0x13400] =	vst v63  }
0x9d: {  	_ =	swait.ge [sflag:s3], $0x8000  }
0x9e: {  	[sflag:s3] =	ssyncset.done $0x0  }
0x9f: {  	[sflag:s3] =	ssyncadd.s32 $0xFFFF8000  }
0xa0: {  	[tilespmem:s7], [sflag:$0x2] =	stream.indirect.gather [hbm4b:s4+s5], $0x20, s14, s5, $0xb8;
	[tilespmem:$0x13400] =	vst v63  }
0xa1: {  	_ =	swait.ge [sflag:s8], $0x8000  }
0xa2: {  	[sflag:s8] =	ssyncset.done $0x0  }
0xa3: {  	[sflag:s8] =	ssyncadd.s32 $0xFFFF8000  }
0xa4: {  	[hbm4b:s15+s2] =	stream.linear.scatter [tilespmem:s6], [sflag:$0x3], $0x8000, $0x38;
	[tilespmem:$0x13400] =	vst v63  }
0xa5: {  	_ =	swait.ge [sflag:s3], $0x8000  }
0xa6: {  	[sflag:s3] =	ssyncset.done $0x0  }
0xa7: {  	[sflag:s3] =	ssyncadd.s32 $0xFFFF8000  }
0xa8: {  	[tilespmem:s6], [sflag:$0x1] =	stream.indirect.gather [hbm4b:s4+s5], $0x20, s16, s5, $0xb8;
	[tilespmem:$0x13400] =	vst v63  }
0xa9: {  	_ =	swait.ge [sflag:s10], $0x8000  }
0xaa: {  	[sflag:s10] =	ssyncset.done $0x0  }
0xab: {  	[sflag:s10] =	ssyncadd.s32 $0xFFFF8000  }
0xac: {  	[hbm4b:s17+s2] =	stream.linear.scatter [tilespmem:s7], [sflag:$0x3], $0x8000, $0x38;
	[tilespmem:$0x13400] =	vst v63  }
0xad: {  	_ =	swait.ge [sflag:s3], $0x8000  }
0xae: {  	[sflag:s3] =	ssyncset.done $0x0  }
0xaf: {  	[sflag:s3] =	ssyncadd.s32 $0xFFFF8000  }
0xb0: {  	[tilespmem:s7], [sflag:$0x2] =	stream.indirect.gather [hbm4b:s4+s5], $0x20, s18, s5, $0xb8;
	[tilespmem:$0x13400] =	vst v63  }
0xb1: {  	_ =	swait.ge [sflag:s8], $0x8000  }
0xb2: {  	[sflag:s8] =	ssyncset.done $0x0  }
0xb3: {  	[sflag:s8] =	ssyncadd.s32 $0xFFFF8000  }
0xb4: {  	[hbm4b:s19+s2] =	stream.linear.scatter [tilespmem:s6], [sflag:$0x3], $0x8000, $0x38;
	[tilespmem:$0x13400] =	vst v63  }
0xb5: {  	_ =	swait.ge [sflag:s3], $0x8000  }
0xb6: {  	[sflag:s3] =	ssyncset.done $0x0  }
0xb7: {  	[sflag:s3] =	ssyncadd.s32 $0xFFFF8000  }
0xb8: {  	[tilespmem:s6], [sflag:$0x1] =	stream.indirect.gather [hbm4b:s4+s5], $0x20, s20, s5, $0xb8;
	[tilespmem:$0x13400] =	vst v63  }
0xb9: {  	_ =	swait.ge [sflag:s10], $0x8000  }
0xba: {  	[sflag:s10] =	ssyncset.done $0x0  }
0xbb: {  	[sflag:s10] =	ssyncadd.s32 $0xFFFF8000  }
0xbc: {  	[hbm4b:s21+s2] =	stream.linear.scatter [tilespmem:s7], [sflag:$0x3], $0x8000, $0x38;
	[tilespmem:$0x13400] =	vst v63  }
0xbd: {  	_ =	swait.ge [sflag:s3], $0x8000  }
0xbe: {  	[sflag:s3] =	ssyncset.done $0x0  }
0xbf: {  	[sflag:s3] =	ssyncadd.s32 $0xFFFF8000  }
0xc0: {  	[tilespmem:s7], [sflag:$0x2] =	stream.indirect.gather [hbm4b:s4+s5], $0x20, s22, s5, $0xb8;
	[tilespmem:$0x13400] =	vst v63  }
0xc1: {  	_ =	swait.ge [sflag:s8], $0x8000  }
0xc2: {  	[sflag:s8] =	ssyncset.done $0x0  }
0xc3: {  	[sflag:s8] =	ssyncadd.s32 $0xFFFF8000  }
0xc4: {  	[hbm4b:s23+s2] =	stream.linear.scatter [tilespmem:s6], [sflag:$0x3], $0x8000, $0x38;
	[tilespmem:$0x13400] =	vst v63  }
0xc5: {  	_ =	swait.ge [sflag:s3], $0x8000  }
0xc6: {  	[sflag:s3] =	ssyncset.done $0x0  }
0xc7: {  	[sflag:s3] =	ssyncadd.s32 $0xFFFF8000  }
0xc8: {  	[tilespmem:s6], [sflag:$0x1] =	stream.indirect.gather [hbm4b:s4+s5], $0x20, s24, s5, $0xb8;
	[tilespmem:$0x13400] =	vst v63  }
0xc9: {  	_ =	swait.ge [sflag:s10], $0x8000  }
0xca: {  	[sflag:s10] =	ssyncset.done $0x0  }
0xcb: {  	[sflag:s10] =	ssyncadd.s32 $0xFFFF8000  }
0xcc: {  	[hbm4b:s25+s2] =	stream.linear.scatter [tilespmem:s7], [sflag:$0x3], $0x8000, $0x38;
	[tilespmem:$0x13400] =	vst v63  }
0xcd: {  	_ =	swait.ge [sflag:s3], $0x8000  }
0xce: {  	[sflag:s3] =	ssyncset.done $0x0  }
0xcf: {  	[sflag:s3] =	ssyncadd.s32 $0xFFFF8000  }
0xd0: {  	[tilespmem:s7], [sflag:$0x2] =	stream.indirect.gather [hbm4b:s4+s5], $0x20, s26, s5, $0xb8;
	[tilespmem:$0x13400] =	vst v63  }
0xd1: {  	_ =	swait.ge [sflag:s8], $0x8000  }
0xd2: {  	[sflag:s8] =	ssyncset.done $0x0  }
0xd3: {  	[sflag:s8] =	ssyncadd.s32 $0xFFFF8000  }
0xd4: {  	[hbm4b:s28+s2] =	stream.linear.scatter [tilespmem:s6], [sflag:$0x3], $0x8000, $0x38;
	[tilespmem:$0x13400] =	vst v63  }
0xd5: {  	_ =	swait.ge [sflag:s3], $0x8000  }
0xd6: {  	[sflag:s3] =	ssyncset.done $0x0  }
0xd7: {  	[sflag:s3] =	ssyncadd.s32 $0xFFFF8000  }
0xd8: {  	[tilespmem:s6], [sflag:$0x1] =	stream.indirect.gather [hbm4b:s4+s5], $0x20, s29, s5, $0xb8;
	[tilespmem:$0x13400] =	vst v63  }
0xd9: {  	_ =	swait.ge [sflag:s10], $0x8000  }
0xda: {  	[sflag:s10] =	ssyncset.done $0x0  }
0xdb: {  	[sflag:s10] =	ssyncadd.s32 $0xFFFF8000  }
0xdc: {  	[hbm4b:s30+s2] =	stream.linear.scatter [tilespmem:s7], [sflag:$0x3], $0x8000, $0x38;
	[tilespmem:$0x13400] =	vst v63  }
0xdd: {  	_ =	swait.ge [sflag:s3], $0x8000  }
0xde: {  	[sflag:s3] =	ssyncset.done $0x0  }
0xdf: {  	p0 =	sne.s32 s1, $0x1;
	[sflag:s3] =	ssyncadd.s32 $0xFFFF8000  }
.Ltmp1:
0xe0: {  	_ =	swait.ge [sflag:s8], $0x8000;
	(pc) =	sbr.rel @p0 .LBB2_1-.Ltmp1, $4  }
0xe1: {  	[sflag:s8] =	ssyncset.done $0x0  }
0xe2: {  	[sflag:s8] =	ssyncadd.s32 $0xFFFF8000  }
0xe3: {  	[hbm4b:s31+s2] =	stream.linear.scatter [tilespmem:s6], [sflag:$0x3], $0x8000, $0x38;
	[tilespmem:$0x13400] =	vst v63  }
0xe4: {  	s1 =	sadd.s32 $0xFFFFFFFF, s1;
	_ =	swait.ge [sflag:s3], $0x8000  }
.LBB2_2:
0xe5: {  	[sflag:s3] =	ssyncset.done $0x0  }
0xe6: {  	[sflag:s3] =	ssyncadd.s32 $0xFFFF8000  }
0xe7: {  	_ =	sfence.sel $0x180000  }
0xe8: {  	[bflag:$0x0] =	sbarrier.arrive $0xFFFF  }
0xe9: {  	_ =	strace $0x90000047  }
0xea: {  	s0 =	stileid.u32;
	[bflag:$0x2] =	sbarrier.arrive $0xFFFF  }
0xeb: {  	p0 =	sne.s32 s0, $0x0;
	s0 =	rddreg [dreg:$0x2]  }
0xec: {  	s0 =	sadd.s32 @!p0 $0x100000, s0  }
0xed: {  	[sflag:s0] =	ssyncadd.tile.s32 @!p0 $0x1;
	_ =	shalt  }
.Lfunc_end2:
_tile_overlayer_lowered:
.L_overlay_start_2:
0xee: {  	(tag) =	ssettag $0x2  }
0xef: {  	s0 =	rddreg [dreg:$0x0];
	s2 =	stileid.u32  }
0xf0: {  	s1 =	rddreg [dreg:$0x1];
	p0 =	sne.s32 s2, $0x0  }
0xf1: {  	s3 =	rddreg [dreg:$0x2];
	[bflag:$0x3] =	sbarrier.arrive $0xFFFF;
	s2 =	simm.s32 @!p0 $0x1C03  }
0xf2: {  	[timem:s3], [sflag:s2] =	dma.local @!p0 [hbm:s0], s1  }
0xf3: {  	s0 =	simm.s32 @!p0 $0x3  }
0xf4: {  	_ =	swait.ge @!p0 [sflag:s0], s1  }
0xf5: {  	s1 =	ssub.s32 @!p0 $0x0, s1;
	[sflag:s0] =	ssyncset.done @!p0 $0x0  }
0xf6: {  	[sflag:s0] =	ssyncadd.s32 @!p0 s1  }
0xf7: {  	[bflag:$0x3] =	sbarrier.arrive $0xFFFF  }
0xf8: {  	_ =	shalt  }

// kernel: sparse-core-data-format-call.cloned.1.call-start
scs
called_computation_lowered:
.L_overlay_start_0:
0x0: {  	s2 =	sld [smem:$0x3FD9]  }
0x1: {  	s3 =	sld [smem:$0x3FFE];
	_ =	sdelay $0x1  }
0x2: {  	s1 =	srdreg.scid  }
0x3: {  	s0 =	sand.u32 $0x1, s1  }
0x4: {  	s18 =	sshll.u32 s0, $0xA;
	s2 =	sadd.s32 s3, s2  }
0x5: {  	s2 =	sadd.s32 s2, s18  }
0x6: {  	[smem:$0x3FC6] =	sst s2  }
0x7: {  	_ = 	snop  }
0x8: {  	s2 =	sld [smem:$0x3FD0];
	(tm) =	ssettm $0x1  }
0x9: {  	s19 =	sld [smem:$0x3FFB];
	_ =	sdelay $0x3  }
0xa: {  	_ =	strace s19  }
0xb: {  	s3 =	sld [smem:$0x3FFC];
	_ =	sdelay $0x3  }
0xc: {  	_ =	strace s3  }
0xd: {  	s3 =	sld [smem:$0x3FFD];
	_ =	sdelay $0x3  }
0xe: {  	_ =	strace s3  }
0xf: {  	_ =	strace $0x8FFFFFFF  }
0x10: {  	s20 =	sld [smem:$0x3FDB];
	_ =	sdelay $0x1  }
0x11: {  	s4 =	simm.s32 $_scs_section_size  }
0x12: {  	s5 =	simm.s32 $_size__tile_overlayer_lowered;
	s6 =	simm.s32 $_tile_overlayer_lowered  }
0x13: {  	s23 =	simm.s32 $0x1BFF;
	s22 =	sshll.u32 s6, $0x1;
	s3 =	sadd.s32 s4, s20  }
0x14: {  	s7 =	simm.s32 $0x0;
	s21 =	sshll.u32 s5, $0x1;
	s5 =	sadd.s32 s22, s3  }
0x15: {  	[timem:s7], [sflag:s23] =	dma.local [hbm:s5], s21  }
0x16: {  	_ =	swait.ge [sflag:s23], s21  }
0x17: {  	s4 =	ssub.s32 $0x0, s21;
	[sflag:s23] =	ssyncset.done $0x0  }
0x18: {  	[sflag:s23] =	ssyncadd.s32 s4;
	_ =	sdelay $0x1  }
0x19: {  	s24 =	simm.s32 $0x1B8B  }
0x1a: {  	_ =	swait.ge [sflag:s24], $0x1  }
0x1b: {  	[sflag:s24] =	ssyncset.done $0x0  }
0x1c: {  	s26 =	simm.s32 $0x1B8E;
	s25 =	sld [smem:$0x3FFE];
	[sflag:s24] =	ssyncadd.s32 $0xFFFFFFFF  }
0x1d: {  	s27 =	simm.s32 $execute0_lowered;
	[smem:$0x3FD2] =	sst s26  }
0x1e: {  	s5 =	sshll.u32 s27, $0x1;
	_ =	strace $0x80000049;
	[dreg:$0x1] =	wrdreg $0xFFFFFFFF  }
0x1f: {  	s28 =	simm.s32 $_size_execute0_lowered;
	s3 =	sadd.s32 s3, s5;
	[dreg:$0x0] =	wrdreg $0x0  }
0x20: {  	s5 =	sshll.u32 s28, $0x1;
	[dreg:$0x2] =	wrdreg s3  }
0x21: {  	[dreg:$0x3] =	wrdreg s5  }
0x22: {  	[dreg:$0x4] =	wrdreg $0xC0  }
0x23: {  	_ =	task [dreg:s7], $0x5FFFF  }
0x24: {  	[dreg:$0x1] =	wrdreg $0xFFFFFFFF  }
0x25: {  	[dreg:$0x0] =	wrdreg $0x60  }
0x26: {  	[dreg:$0x2] =	wrdreg s25  }
0x27: {  	[dreg:$0x3] =	wrdreg s2  }
0x28: {  	[dreg:$0x4] =	wrdreg $0x9  }
0x29: {  	_ =	task.clear_ibuf [dreg:s7], $0x5FFFF;
	_ =	strace $0x90000049  }
0x2a: {  	s29 =	simm.s32 $0x9;
	_ =	strace $0x8000004B  }
0x2b: {  	_ =	swait.ge [sflag:s29], $0x1  }
0x2c: {  	[sflag:s29] =	ssyncadd.s32 $0xFFFFFFFF  }
0x2d: {  	_ =	strace $0x9000004B  }
0x2e: {  	_ =	sfence  }
0x2f: {  	s30 =	sld [smem:$0x0];
	_ =	sdelay $0x2  }
0x30: {  	s31 =	sshll.u32 s1, $0xD;
	s1 =	sshrl.u32 s1, $0x2  }
0x31: {  	s3 =	sand.u32 $0x4000, s31;
	s1 =	sadd.s32 s1, s30  }
0x32: {  	s0 =	sor.u32 s3, s0;
	s1 =	sshll.u32 s1, $0x11  }
0x33: {  	s0 =	sor.u32 s1, s0  }
0x34: {  	s0 =	sadd.s32 $0x8F2B, s0  }
0x35: {  	[sflag:s0] =	ssyncadd.remote.s32 $0x1  }
0x36: {  	_ =	sfence.sel $0xFFFF  }
0x37: {  	[dreg:$0x0] =	wrdreg $0xFFFFFFFF;
	(pc) =	sbr.abs _section_cstart, $3  }
0x38: {  	[dreg:$0x1] =	wrdreg $0xFFFFFFFF  }
0x39: {  	_ =	task.clear_ibuf [dreg:s7], $0x2FFFF;
	_ =	strace $0x9FFFFFFF  }
0x3a: {  	(tm) =	ssettm $0x7FFFFFFF  }
0x3b: {  	_ =	shalt  }
tec
execute0_lowered:
.L_overlay_start_1:
0x0: {  	(tag) =	ssettag $0x1  }
0x1: {  	s0 =	srdreg.scid  }
0x2: {  	s1 =	sshll.u32 s0, $0x4  }
0x3: {  	s0 =	stileid.u32;
	s1 =	sand.u32 $0x10, s1  }
0x4: {  	s7 =	rddreg [dreg:$0x0];
	s1 =	sor.u32 s0, s1  }
0x5: {  	s4 =	simm.s32 $0x1;
	s8 =	simm.s32 $0x2;
	s2 =	sshll.u32 s1, $0x7  }
0x6: {  	s13 =	simm.s32 $0x0;
	s9 =	simm.s32 $0x20000;
	s1 =	ssub.s32 $0x4000, s2  }
0x7: {  	s14 =	simm.s32 $0x0;
	s11 =	simm.s32 $0x0;
	s3 =	sand.u32 $0xF80, s1  }
0x8: {  	s12 =	simm.s32 $0x0;
	s5 =	sshrl.u32 s1, $0xC;
	p0 =	sne.s32 s3, $0x0  }
.Ltmp0:
0x9: {  	s1 =	rddreg [dreg:$0x2];
	s4 =	simm.s32 @!p0 $0x0;
	(pc) =	sbr.rel .LBB1_1-.Ltmp0, $4  }
0xa: {  	s6 =	sadd.s32 $0x800, s7;
	s3 =	rddreg [dreg:$0x1];
	s5 =	sadd.s32 s4, s5  }
0xb: {  	_ =	strace $0x8000004A;
	s4 =	simm.s32 $0x1;
	s5 =	smul.u32 $0xD, s5  }
0xc: {  	s7 =	sadd.s32 $0x40800, s7;
	s10 =	smov.u32 s2;
	[sflag:s4] =	ssyncpa.u1 $0x0  }
0xd: {  	p0 =	por $0x0, $0x0;
	[sflag:s8] =	ssyncpa.u1 $0x0;
	s8 =	sadd.s32 $0x1, s5  }
.LBB1_7:
0xe: {  	s15 =	sadd.s32 $0x1000, s10  }
0xf: {  	s13 =	sadd.s32 $0x2, s11;
	s17 =	smov.u32 s11;
	p2 =	sgt.s32 s15, $0x3FFF  }
0x10: {  	s17 =	smov.u32 @p2 s13  }
0x11: {  	s15 =	smov.u32 @p2 s2;
	p2 =	sgt.s32 s17, $0x19  }
0x12: {  	s17 =	simm.s32 @p2 $0x0;
	p2 =	sne.s32 s12, s8  }
.Ltmp1:
0x13: {  	p1 =	slt.u32 s12, $0x2;
	(pc) =	sbr.rel @!p2 .LBB1_8-.Ltmp1, $4  }
0x14: {  	s16 =	simm.s32 @!p1 $0x2  }
0x15: {  	s14 =	smov.u32 s11;
	p0 =	por !p0, !p0;
	_ =	swait.ge @!p1 [sflag:s16], $0x2000  }
0x16: {  	s13 =	smov.u32 s10;
	[sflag:s16] =	ssyncset.done @!p1 $0x0;
	s10 =	smov.u32 s15  }
0x17: {  	s12 =	sadd.s32 $0x1, s12;
	[sflag:s16] =	ssyncadd.s32 @!p1 $0xFFFFE000;
	s11 =	smov.u32 s17  }
.LBB1_1:
0x18: {  	p1 =	sge.u32 s12, s5  }
0x19: {  	s15 =	sxor.u32 @!p1 $0xFFFFFFFF, s12;
	s16 =	sshll.u32 @!p1 s11, $0x12  }
0x1a: {  	s17 =	sshll.u32 @!p1 s10, $0x4;
	s19 =	simm.s32 @!p1 $0x20;
	s20 =	simm.s32 @!p1 $0x80  }
0x1b: {  	s15 =	sshll.u32 @!p1 s15, $0xD;
	s17 =	sand.u32 @!p1 $0x3FFF0, s17;
	s18 =	sadd.s32 @!p1 s6, s16  }
0x1c: {  	s16 =	sadd.s32 @!p1 s16, s7;
	s15 =	sand.u32 @!p1 $0x2000, s15;
	s18 =	sadd.s32 @!p1 s17, s18  }
0x1d: {  	[tilespmem:s15], [sflag:$0x1] =	stream.strided.gather @!p1 [hbm4b:s18+s19], $0x1000, s20, s19, $0x38;
	[tilespmem:$0x8080] =	vst v63  }
0x1e: {  	s31 =	sadd.s32 $0xFFFFFFFF, s12;
	s16 =	sadd.s32 @!p1 s17, s16;
	s15 =	sor.u32 @!p1 $0x1000, s15  }
0x1f: {  	[tilespmem:s15], [sflag:$0x1] =	stream.strided.gather @!p1 [hbm4b:s16+s19], $0x1000, s20, s19, $0x38;
	[tilespmem:$0x8080] =	vst v63  }
0x20: {  	p1 =	sge.u32 s31, s5  }
.Ltmp2:
0x21: {  	_ = 	snop;
	(pc) =	sbr.rel @p1 .LBB1_7-.Ltmp2, $1  }
0x22: {  	_ =	sdelay $0x3  }
0x23: {  	s15 =	simm.s32 $0x1;
	s17 =	sand.u32 $0x1, s12  }
0x24: {  	_ =	swait.ge [sflag:s4], $0x2000;
	s15 =	simm.s32 @!p0 $0x0;
	s17 =	smul.u32 $0x8100, s17  }
0x25: {  	p2 =	por $0x1, $0x1;
	[sflag:s4] =	ssyncset.done $0x0;
	s16 =	smul.u32 $0x8100, s15  }
0x26: {  	s18 =	sshll.u32 s15, $0xF;
	[sflag:s4] =	ssyncadd.s32 $0xFFFFE000;
	s30 =	sshrl.u32 s17, $0x2  }
0x27: {  	s31 =	sshrl.u32 s18, $0x2;
	s18 =	simm.s32 $0x0;
	s16 =	sshrl.u32 s16, $0x2  }
0x28: {  	s15 =	sor.u32 $0x4000, s30;
	s17 =	sadd.s32 $0x10, s31;
	s16 =	sor.u32 $0x4000, s16  }
.LBB1_3:
0x29: {  	s19 =	sshll.u32 s18, $0xC  }
0x2a: {  	s19 =	sand.u32 $0x3FFFF000, s19  }
0x2b: {  	s20 =	sadd.s32 s19, s17  }
0x2c: {  	s31 =	smul.u32 $0x4080, s18;
	v1 =	vld [tilespmem:s20+$0x0]  }
0x2d: {  	v0 =	vld [tilespmem:s20+$0xFFFFFFF0]  }
0x2e: {  	s18 =	sshra.s32 s31, $0x2  }
0x2f: {  	s18 =	sadd.s32 s18, s16  }
0x30: {  	s21 =	sadd.s32 $0x0, s18  }
0x31: {  	p1 =	por p2, p2;
	s19 =	simm.s32 $0x4;
	s20 =	sadd.s32 $0x20, s20;
	[tilespmem:s21+$0x810 ss:$0x81] =	vst.msk $0xffff, v1  }
.LBB1_4:
0x32: {  	v1 =	vld [tilespmem:s20+$0x0];
	p2 =	sne.s32 s19, $0x1FC;
	[tilespmem:s21+$0x0 ss:$0x81] =	vst.msk $0xffff, v0;
	s21 =	smov.u32 s19;
	s19 =	sadd.s32 $0x4, s19  }
.Ltmp3:
0x33: {  	v0 =	vld [tilespmem:s20+$0xFFFFFFF0];
	(pc) =	sbr.rel @p2 .LBB1_4-.Ltmp3, $4  }
0x34: {  	_ = 	snop  }
0x35: {  	s21 =	sshra.s32 s21, $0x2  }
0x36: {  	s21 =	sadd.s32 s21, s18  }
0x37: {  	s20 =	sadd.s32 $0x20, s20;
	[tilespmem:s21+$0x810 ss:$0x81] =	vst.msk $0xffff, v1  }
.Ltmp4:
0x38: {  	(pc) =	sbr.rel @p1 .LBB1_3-.Ltmp4, $2  }
0x39: {  	_ =	sdelay $0x2  }
0x3a: {  	[tilespmem:s21+$0x0 ss:$0x81] =	vst.msk $0xffff, v0;
	s18 =	simm.s32 $0x1;
	p2 =	por $0x0, $0x0  }
0x3b: {  	s16 =	sshll.u32 s13, $0x3;
	s17 =	sand.u32 $0x78, s13;
	s14 =	sshll.u32 s14, $0x10  }
.Ltmp5:
0x3c: {  	s30 =	sand.u32 $0xF800, s13;
	s16 =	sand.u32 $0x3C00, s16;
	(pc) =	sbr.rel .LBB1_7-.Ltmp5, $4  }
0x3d: {  	s31 =	sand.u32 $0x7, s13;
	s14 =	sadd.s32 s3, s14;
	s16 =	sor.u32 s17, s16  }
0x3e: {  	s13 =	sshll.u32 s31, $0x12;
	s14 =	sadd.s32 s30, s14;
	s16 =	sshrl.u32 s16, $0x3  }
0x3f: {  	s13 =	sor.u32 $0x400, s13;
	s14 =	sadd.s32 s16, s14  }
0x40: {  	[hbm4b:s14+s13] =	stream.strided.scatter [tilespmem:s15], [sflag:$0x2], $0x2000, s9, s13, $0x20;
	[tilespmem:$0x8080] =	vst v63  }
.LBB1_8:
0x41: {  	_ =	sfence.sel $0x180000  }
0x42: {  	s2 =	simm.s32 $0x1;
	[bflag:$0x0] =	sbarrier.arrive $0xFFFF  }
0x43: {  	s31 =	simm.s32 $0x2;
	[sflag:s2] =	ssyncpa.u1 $0x1  }
0x44: {  	[sflag:s31] =	ssyncpa.u1 $0x1  }
0x45: {  	p0 =	sne.s32 s0, $0x0;
	_ =	strace $0x9000004A  }
0x46: {  	s0 =	sadd.s32 @!p0 $0x100000, s1;
	[bflag:$0x2] =	sbarrier.arrive $0xFFFF  }
0x47: {  	[sflag:s0] =	ssyncadd.tile.s32 @!p0 $0x1;
	_ =	shalt  }
.Lfunc_end1:
_tile_overlayer_lowered:
.L_overlay_start_2:
0x48: {  	(tag) =	ssettag $0x2  }
0x49: {  	s0 =	rddreg [dreg:$0x0];
	s2 =	stileid.u32  }
0x4a: {  	s1 =	rddreg [dreg:$0x1];
	p0 =	sne.s32 s2, $0x0  }
0x4b: {  	s3 =	rddreg [dreg:$0x2];
	[bflag:$0x3] =	sbarrier.arrive $0xFFFF;
	s2 =	simm.s32 @!p0 $0x1C01  }
0x4c: {  	[timem:s3], [sflag:s2] =	dma.local @!p0 [hbm:s0], s1  }
0x4d: {  	s0 =	simm.s32 @!p0 $0x1  }
0x4e: {  	_ =	swait.ge @!p0 [sflag:s0], s1  }
0x4f: {  	s1 =	ssub.s32 @!p0 $0x0, s1;
	[sflag:s0] =	ssyncset.done @!p0 $0x0  }
0x50: {  	[sflag:s0] =	ssyncadd.s32 @!p0 s1  }
0x51: {  	[bflag:$0x3] =	sbarrier.arrive $0xFFFF  }
0x52: {  	_ =	shalt  }

</sc_bundles>
